<compile_context>
chip_gen: v7x
topology: tpu7x:2x2x1
jax: 0.10.2.dev20260603
libtpu: 0.0.44.dev20260713+nightly
codegen_flags: <defaults>
</compile_context>

<pallas_src>
import functools

import jax
import jax.numpy as jnp
from jax import lax
from jax.experimental import pallas as pl
from jax.experimental.pallas import tpu as pltpu
from jax.experimental.pallas import tpu_sc as plsc

N = 10000
E = 160000
C = 256
CH = C // 2
TILES = 16
R_PAD = 10240
ROWS_PER_TILE = R_PAD // TILES
CHUNK = 128
NCHUNKS = 80
EPT = NCHUNKS * CHUNK
E_PAD = EPT * TILES
RB = 512
DEGW = 16

_MESH = plsc.VectorSubcoreMesh(core_axis_name="c", subcore_axis_name="s")



NCH2 = NCHUNKS // 2


@functools.partial(
    pl.kernel,
    mesh=_MESH,
    out_type=jax.ShapeDtypeStruct((2, R_PAD, CHUNK), jnp.float32),
    scratch_types=[
        pltpu.VMEM((NCHUNKS, CHUNK), jnp.int32),
        pltpu.VMEM((CHUNK, CHUNK), jnp.float32),
        pltpu.VMEM_SHARED((R_PAD, CHUNK), jnp.float32),
    ],
)
def _sc_deg(dst_hbm, ones_hbm, zeros_hbm, out_hbm, dst_v, ones_v, acc_sh):
    c = lax.axis_index("c")
    s = lax.axis_index("s")
    rb = s * ROWS_PER_TILE
    pltpu.sync_copy(zeros_hbm, acc_sh.at[pl.ds(rb, ROWS_PER_TILE)])
    pltpu.sync_copy(ones_hbm, ones_v)
    pltpu.sync_copy(dst_hbm.at[s], dst_v)
    plsc.subcore_barrier()
    j0 = c * NCH2

    def body(j, carry):
        pltpu.sync_copy(ones_v, acc_sh.at[dst_v.at[j0 + j]], add=True)
        return carry

    lax.fori_loop(0, NCH2, body, 0)
    plsc.subcore_barrier()
    pltpu.sync_copy(
        acc_sh.at[pl.ds(rb, ROWS_PER_TILE)],
        out_hbm.at[c, pl.ds(rb, ROWS_PER_TILE)],
    )


@functools.partial(
    pl.kernel,
    mesh=_MESH,
    out_type=jax.ShapeDtypeStruct((2, R_PAD, CH), jnp.float32),
    scratch_types=[
        pltpu.VMEM((NCHUNKS, CHUNK), jnp.int32),
        pltpu.VMEM((NCHUNKS, CHUNK), jnp.int32),
        pltpu.VMEM((CHUNK, CH), jnp.float32),
        pltpu.VMEM_SHARED((R_PAD, CH), jnp.float32),
    ],
)
def _sc_msg(g_hbm, src_hbm, dst_hbm, out_hbm, src_v, dst_v, rows_v, acc_sh):
    c = lax.axis_index("c")
    s = lax.axis_index("s")
    rb = s * ROWS_PER_TILE
    pltpu.sync_copy(
        g_hbm.at[c, pl.ds(rb, ROWS_PER_TILE)],
        acc_sh.at[pl.ds(rb, ROWS_PER_TILE)],
    )
    pltpu.sync_copy(src_hbm.at[s], src_v)
    pltpu.sync_copy(dst_hbm.at[s], dst_v)
    plsc.subcore_barrier()

    def body(j, carry):
        pltpu.sync_copy(g_hbm.at[c].at[src_v.at[j]], rows_v)
        pltpu.sync_copy(rows_v, acc_sh.at[dst_v.at[j]], add=True)
        return carry

    lax.fori_loop(0, NCHUNKS, body, 0)
    plsc.subcore_barrier()
    pltpu.sync_copy(
        acc_sh.at[pl.ds(rb, ROWS_PER_TILE)],
        out_hbm.at[c, pl.ds(rb, ROWS_PER_TILE)],
    )



def _tc1_body(x_ref, w_ref, dega_ref, degb_ref, out_ref, deg_ref):
    deg = dega_ref[...] + degb_ref[...]
    deg_ref[...] = deg
    dis = lax.rsqrt(deg + 1.0)
    h = jnp.dot(x_ref[...], w_ref[...],
                preferred_element_type=jnp.float32,
                precision=lax.Precision.HIGHEST)
    out_ref[...] = (h * dis)[None]


_tc1 = pl.pallas_call(
    _tc1_body,
    grid=(R_PAD // RB, 2),
    in_specs=[
        pl.BlockSpec((RB, C), lambda i, j: (i, 0)),
        pl.BlockSpec((C, CH), lambda i, j: (0, j)),
        pl.BlockSpec((RB, 1), lambda i, j: (i, 0)),
        pl.BlockSpec((RB, 1), lambda i, j: (i, 0)),
    ],
    out_specs=[
        pl.BlockSpec((1, RB, CH), lambda i, j: (j, i, 0)),
        pl.BlockSpec((RB, 1), lambda i, j: (i, 0)),
    ],
    out_shape=[
        jax.ShapeDtypeStruct((2, R_PAD, CH), jnp.float32),
        jax.ShapeDtypeStruct((R_PAD, 1), jnp.float32),
    ],
)


def _tc2_body(sa_ref, sb_ref, deg_ref, b_ref, w_ref, out_ref):
    dis = lax.rsqrt(deg_ref[...] + 1.0)
    ha = jnp.maximum(sa_ref[0] * dis + b_ref[0:1, :], 0.0)
    hb = jnp.maximum(sb_ref[0] * dis + b_ref[1:2, :], 0.0)
    w = w_ref[...]
    h = jnp.dot(ha, w[:CH, :], preferred_element_type=jnp.float32,
                precision=lax.Precision.HIGHEST)
    h = h + jnp.dot(hb, w[CH:, :], preferred_element_type=jnp.float32,
                    precision=lax.Precision.HIGHEST)
    out_ref[...] = (h * dis)[None]


_tc2 = pl.pallas_call(
    _tc2_body,
    grid=(R_PAD // RB, 2),
    in_specs=[
        pl.BlockSpec((1, RB, CH), lambda i, j: (0, i, 0)),
        pl.BlockSpec((1, RB, CH), lambda i, j: (1, i, 0)),
        pl.BlockSpec((RB, 1), lambda i, j: (i, 0)),
        pl.BlockSpec((2, CH), lambda i, j: (0, 0)),
        pl.BlockSpec((C, CH), lambda i, j: (0, j)),
    ],
    out_specs=pl.BlockSpec((1, RB, CH), lambda i, j: (j, i, 0)),
    out_shape=jax.ShapeDtypeStruct((2, R_PAD, CH), jnp.float32),
)


def _tc3_body(s_ref, deg_ref, b_ref, out_ref):
    dis = lax.rsqrt(deg_ref[...] + 1.0)
    b = b_ref[...]
    brow = jnp.where(pl.program_id(1) == 0, b[0:1, :], b[1:2, :])
    out_ref[...] = jnp.maximum(s_ref[0] * dis + brow, 0.0)


_tc3 = pl.pallas_call(
    _tc3_body,
    grid=(R_PAD // RB, 2),
    in_specs=[
        pl.BlockSpec((1, RB, CH), lambda i, j: (j, i, 0)),
        pl.BlockSpec((RB, 1), lambda i, j: (i, 0)),
        pl.BlockSpec((2, CH), lambda i, j: (0, 0)),
    ],
    out_specs=pl.BlockSpec((RB, CH), lambda i, j: (i, j)),
    out_shape=jax.ShapeDtypeStruct((R_PAD, C), jnp.float32),
)



def kernel(x, edge_index, W1, b1, W2, b2):
    x_pad = jnp.pad(x, ((0, R_PAD - N), (0, 0)))
    pad_e = E_PAD - E
    src_p = jnp.pad(edge_index[0], (0, pad_e), constant_values=N)
    dst_p = jnp.pad(edge_index[1], (0, pad_e), constant_values=N)
    src_p = src_p.reshape(TILES, NCHUNKS, CHUNK)
    dst_p = dst_p.reshape(TILES, NCHUNKS, CHUNK)
    ones = jnp.ones((CHUNK, CHUNK), jnp.float32)
    zeros = jnp.zeros((ROWS_PER_TILE, CHUNK), jnp.float32)

    degs = _sc_deg(dst_p, ones, zeros)
    g1, deg = _tc1(x_pad, W1, degs[0, :, :1], degs[1, :, :1])
    s1 = _sc_msg(g1, src_p, dst_p)
    g2 = _tc2(s1, s1, deg, b1.reshape(2, CH), W2)
    s2 = _sc_msg(g2, src_p, dst_p)
    out = _tc3(s2, deg, b2.reshape(2, CH))
    return out[:N]

# --- scband reference (transcript-rebuilt; emitter-appended) ---
"""Pipeline reference for scband-encoder-16518444221230 (READ-ONLY COPY).

The authoritative reference and input builder live on the scoring server;
editing this copy changes nothing except your own understanding.
"""

import jax, jax.numpy as jnp
import numpy as np

N_NODES = 10000
N_EDGES = 160000
IN_CH = 256
HID_CH = 256
OUT_CH = 256


def _gcn_conv(x, edge_index, W, b, n_nodes):
    # Faithful GCNConv: linear transform, add self-loops, symmetric normalization, sum-aggregate, bias.
    src = edge_index[0]
    dst = edge_index[1]
    loop = jnp.arange(n_nodes, dtype=src.dtype)
    src = jnp.concatenate([src, loop])
    dst = jnp.concatenate([dst, loop])
    h = x @ W
    ones = jnp.ones_like(dst, dtype=h.dtype)
    deg = jax.ops.segment_sum(ones, dst, num_segments=n_nodes)
    deg_inv_sqrt = jnp.where(deg > 0, 1.0 / jnp.sqrt(deg), 0.0)
    norm = deg_inv_sqrt[src] * deg_inv_sqrt[dst]
    msgs = jnp.take(h, src, axis=0) * norm[:, None]
    out = jax.ops.segment_sum(msgs, dst, num_segments=n_nodes)
    return out + b


def setup_inputs(seed: int = 0) -> dict:
    key = jax.random.key(seed)
    k0, k1, k2, k3, k4, k5 = jax.random.split(key, 6)
    x = jax.random.normal(k0, (N_NODES, IN_CH), dtype=jnp.float32)
    edge_index = jax.random.randint(k1, (2, N_EDGES), 0, N_NODES).astype(jnp.int32)
    W1 = jax.random.normal(k2, (IN_CH, HID_CH), dtype=jnp.float32) * (1.0 / np.sqrt(IN_CH))
    b1 = jnp.zeros((HID_CH,), dtype=jnp.float32)
    W2 = jax.random.normal(k3, (HID_CH, OUT_CH), dtype=jnp.float32) * (1.0 / np.sqrt(HID_CH))
    b2 = jnp.zeros((OUT_CH,), dtype=jnp.float32)
    return {"x": x, "edge_index": edge_index, "W1": W1, "b1": b1, "W2": W2, "b2": b2}


def reference(x, edge_index, W1, b1, W2, b2):
    h = _gcn_conv(x, edge_index, W1, b1, N_NODES)
    h = jax.nn.relu(h)
    h = _gcn_conv(h, edge_index, W2, b2, N_NODES)
    h = jax.nn.relu(h)
    return h

if __name__ == "__main__":
    import jax
    _d = setup_inputs()
    print(jax.jit(kernel)(*tuple(_d.values())))

</pallas_src>

<mosaic_0001>
#map = affine_map<(d0, d1) -> (0, 0, 0)>
module attributes {stable_mosaic.version = 14 : i64} {
  func.func @_sc_msg(%arg0: i32, %arg1: i32, %arg2: memref<2x10240x128xf32, #tpu.memory_space<hbm>>, %arg3: memref<16x80x128xi32, #tpu.memory_space<hbm>>, %arg4: memref<16x80x128xi32, #tpu.memory_space<hbm>>, %arg5: memref<2x10240x128xf32, #tpu.memory_space<hbm>>, %arg6: memref<80x128xi32, #tpu.memory_space<vmem>>, %arg7: memref<80x128xi32, #tpu.memory_space<vmem>>, %arg8: memref<128x128xf32, #tpu.memory_space<vmem>>, %arg9: memref<10240x128xf32, #tpu.memory_space<vmem_shared>>) attributes {dimension_semantics = [#tpu.dimension_semantics<core_parallel>, #tpu.dimension_semantics<subcore_parallel>], iteration_bounds = array<i64: 2, 16>, scalar_prefetch = 0 : i64, scratch_operands = 4 : i64, tpu.core_type = #tpu.core_type<sc_vector_subcore>, window_params = [{transform_indices = #map}, {transform_indices = #map}, {transform_indices = #map}, {transform_indices = #map}]} {
    %mul3A = arith.constant 640 : i32
    %mul3A_0 = arith.muli %arg1, %mul3A : i32
    "tpu.region"() ({
      %run_scoped3A = tpu.sem_alloc : memref<!tpu.dma_semaphore, #tpu.memory_space<semaphore_mem>>
      %dma_start3A = arith.constant 0 : i32
      %dma_start3A_7 = tpu.memref_slice %arg9[%mul3A_0, %dma_start3A] : memref<10240x128xf32, #tpu.memory_space<vmem_shared>> -> memref<640x128xf32, #tpu.memory_space<vmem_shared>>
      %dma_start3A_8 = arith.constant 0 : i32
      %dma_start3A_9 = tpu.memref_slice %arg2[%arg0, %mul3A_0, %dma_start3A_8] : memref<2x10240x128xf32, #tpu.memory_space<hbm>> -> memref<1x640x128xf32, #tpu.memory_space<hbm>>
      %dma_start3A_10 = tpu.memref_squeeze %dma_start3A_9 : memref<1x640x128xf32, #tpu.memory_space<hbm>> -> memref<640x128xf32, #tpu.memory_space<hbm>>
      tpu.enqueue_dma source(%dma_start3A_10 : memref<640x128xf32, #tpu.memory_space<hbm>>) target(%dma_start3A_7 : memref<640x128xf32, #tpu.memory_space<vmem_shared>>) target_semaphore(%run_scoped3A : memref<!tpu.dma_semaphore, #tpu.memory_space<semaphore_mem>>)
      %dma_wait3A = arith.constant 0 : i32
      %dma_wait3A_11 = tpu.memref_slice %arg9[%mul3A_0, %dma_wait3A] : memref<10240x128xf32, #tpu.memory_space<vmem_shared>> -> memref<640x128xf32, #tpu.memory_space<vmem_shared>>
      %dma_wait3A_12 = arith.constant 0 : i32
      %dma_wait3A_13 = tpu.memref_slice %arg2[%arg0, %mul3A_0, %dma_wait3A_12] : memref<2x10240x128xf32, #tpu.memory_space<hbm>> -> memref<1x640x128xf32, #tpu.memory_space<hbm>>
      %dma_wait3A_14 = tpu.memref_squeeze %dma_wait3A_13 : memref<1x640x128xf32, #tpu.memory_space<hbm>> -> memref<640x128xf32, #tpu.memory_space<hbm>>
      tpu.wait_dma2 semaphore(%run_scoped3A : memref<!tpu.dma_semaphore, #tpu.memory_space<semaphore_mem>>) src(%dma_wait3A_14 : memref<640x128xf32, #tpu.memory_space<hbm>>) dst(%dma_wait3A_11 : memref<640x128xf32, #tpu.memory_space<vmem_shared>>)
      tpu.yield
    }) : () -> ()
    "tpu.region"() ({
      %run_scoped3A = tpu.sem_alloc : memref<!tpu.dma_semaphore, #tpu.memory_space<semaphore_mem>>
      %dma_start3A = arith.constant 0 : i32
      %dma_start3A_7 = arith.constant 0 : i32
      %dma_start3A_8 = tpu.memref_slice %arg3[%arg1, %dma_start3A, %dma_start3A_7] : memref<16x80x128xi32, #tpu.memory_space<hbm>> -> memref<1x80x128xi32, #tpu.memory_space<hbm>>
      %dma_start3A_9 = tpu.memref_squeeze %dma_start3A_8 : memref<1x80x128xi32, #tpu.memory_space<hbm>> -> memref<80x128xi32, #tpu.memory_space<hbm>>
      %dma_start3A_10 = arith.constant 0 : i32
      %dma_start3A_11 = arith.constant 0 : i32
      %dma_start3A_12 = tpu.memref_slice %arg3[%arg1, %dma_start3A_10, %dma_start3A_11] : memref<16x80x128xi32, #tpu.memory_space<hbm>> -> memref<1x80x128xi32, #tpu.memory_space<hbm>>
      %dma_start3A_13 = tpu.memref_squeeze %dma_start3A_12 : memref<1x80x128xi32, #tpu.memory_space<hbm>> -> memref<80x128xi32, #tpu.memory_space<hbm>>
      tpu.enqueue_dma source(%dma_start3A_13 : memref<80x128xi32, #tpu.memory_space<hbm>>) target(%arg6 : memref<80x128xi32, #tpu.memory_space<vmem>>) target_semaphore(%run_scoped3A : memref<!tpu.dma_semaphore, #tpu.memory_space<semaphore_mem>>)
      %dma_wait3A = arith.constant 0 : i32
      %dma_wait3A_14 = arith.constant 0 : i32
      %dma_wait3A_15 = tpu.memref_slice %arg3[%arg1, %dma_wait3A, %dma_wait3A_14] : memref<16x80x128xi32, #tpu.memory_space<hbm>> -> memref<1x80x128xi32, #tpu.memory_space<hbm>>
      %dma_wait3A_16 = tpu.memref_squeeze %dma_wait3A_15 : memref<1x80x128xi32, #tpu.memory_space<hbm>> -> memref<80x128xi32, #tpu.memory_space<hbm>>
      %dma_wait3A_17 = arith.constant 0 : i32
      %dma_wait3A_18 = arith.constant 0 : i32
      %dma_wait3A_19 = tpu.memref_slice %arg3[%arg1, %dma_wait3A_17, %dma_wait3A_18] : memref<16x80x128xi32, #tpu.memory_space<hbm>> -> memref<1x80x128xi32, #tpu.memory_space<hbm>>
      %dma_wait3A_20 = tpu.memref_squeeze %dma_wait3A_19 : memref<1x80x128xi32, #tpu.memory_space<hbm>> -> memref<80x128xi32, #tpu.memory_space<hbm>>
      tpu.wait_dma2 semaphore(%run_scoped3A : memref<!tpu.dma_semaphore, #tpu.memory_space<semaphore_mem>>) src(%dma_wait3A_20 : memref<80x128xi32, #tpu.memory_space<hbm>>) dst(%arg6 : memref<80x128xi32, #tpu.memory_space<vmem>>)
      tpu.yield
    }) : () -> ()
    "tpu.region"() ({
      %run_scoped3A = tpu.sem_alloc : memref<!tpu.dma_semaphore, #tpu.memory_space<semaphore_mem>>
      %dma_start3A = arith.constant 0 : i32
      %dma_start3A_7 = arith.constant 0 : i32
      %dma_start3A_8 = tpu.memref_slice %arg4[%arg1, %dma_start3A, %dma_start3A_7] : memref<16x80x128xi32, #tpu.memory_space<hbm>> -> memref<1x80x128xi32, #tpu.memory_space<hbm>>
      %dma_start3A_9 = tpu.memref_squeeze %dma_start3A_8 : memref<1x80x128xi32, #tpu.memory_space<hbm>> -> memref<80x128xi32, #tpu.memory_space<hbm>>
      %dma_start3A_10 = arith.constant 0 : i32
      %dma_start3A_11 = arith.constant 0 : i32
      %dma_start3A_12 = tpu.memref_slice %arg4[%arg1, %dma_start3A_10, %dma_start3A_11] : memref<16x80x128xi32, #tpu.memory_space<hbm>> -> memref<1x80x128xi32, #tpu.memory_space<hbm>>
      %dma_start3A_13 = tpu.memref_squeeze %dma_start3A_12 : memref<1x80x128xi32, #tpu.memory_space<hbm>> -> memref<80x128xi32, #tpu.memory_space<hbm>>
      tpu.enqueue_dma source(%dma_start3A_13 : memref<80x128xi32, #tpu.memory_space<hbm>>) target(%arg7 : memref<80x128xi32, #tpu.memory_space<vmem>>) target_semaphore(%run_scoped3A : memref<!tpu.dma_semaphore, #tpu.memory_space<semaphore_mem>>)
      %dma_wait3A = arith.constant 0 : i32
      %dma_wait3A_14 = arith.constant 0 : i32
      %dma_wait3A_15 = tpu.memref_slice %arg4[%arg1, %dma_wait3A, %dma_wait3A_14] : memref<16x80x128xi32, #tpu.memory_space<hbm>> -> memref<1x80x128xi32, #tpu.memory_space<hbm>>
      %dma_wait3A_16 = tpu.memref_squeeze %dma_wait3A_15 : memref<1x80x128xi32, #tpu.memory_space<hbm>> -> memref<80x128xi32, #tpu.memory_space<hbm>>
      %dma_wait3A_17 = arith.constant 0 : i32
      %dma_wait3A_18 = arith.constant 0 : i32
      %dma_wait3A_19 = tpu.memref_slice %arg4[%arg1, %dma_wait3A_17, %dma_wait3A_18] : memref<16x80x128xi32, #tpu.memory_space<hbm>> -> memref<1x80x128xi32, #tpu.memory_space<hbm>>
      %dma_wait3A_20 = tpu.memref_squeeze %dma_wait3A_19 : memref<1x80x128xi32, #tpu.memory_space<hbm>> -> memref<80x128xi32, #tpu.memory_space<hbm>>
      tpu.wait_dma2 semaphore(%run_scoped3A : memref<!tpu.dma_semaphore, #tpu.memory_space<semaphore_mem>>) src(%dma_wait3A_20 : memref<80x128xi32, #tpu.memory_space<hbm>>) dst(%arg7 : memref<80x128xi32, #tpu.memory_space<vmem>>)
      tpu.yield
    }) : () -> ()
    %barrier3A = arith.constant 0 : index
    tpu.barrier barrier_id(%barrier3A)
    %scan3A = arith.constant 0 : i32
    %scan3A_1 = arith.constant 0 : i32
    %scan3A_2 = arith.constant 80 : i32
    %scan3A_3 = arith.addi %scan3A_1, %scan3A_2 : i32
    %scan3A_4 = arith.constant 1 : i32
    scf.for %scan3A_7 = %scan3A_1 to %scan3A_3 step %scan3A_4  : i32 {
      "tpu.region"() ({
        %run_scoped3A = tpu.sem_alloc : memref<!tpu.dma_semaphore, #tpu.memory_space<semaphore_mem>>
        %dma_start3A = arith.constant 0 : i32
        %dma_start3A_8 = tpu.memref_slice %arg6[%scan3A_7, %dma_start3A] : memref<80x128xi32, #tpu.memory_space<vmem>> -> memref<1x128xi32, #tpu.memory_space<vmem>>
        %dma_start3A_9 = tpu.memref_squeeze %dma_start3A_8 : memref<1x128xi32, #tpu.memory_space<vmem>> -> memref<128xi32, #tpu.memory_space<vmem>>
        %dma_start3A_10 = arith.constant 0 : i32
        %dma_start3A_11 = arith.constant 0 : i32
        %dma_start3A_12 = tpu.memref_slice %arg2[%arg0, %dma_start3A_10, %dma_start3A_11] : memref<2x10240x128xf32, #tpu.memory_space<hbm>> -> memref<1x10240x128xf32, #tpu.memory_space<hbm>>
        %dma_start3A_13 = tpu.memref_squeeze %dma_start3A_12 : memref<1x10240x128xf32, #tpu.memory_space<hbm>> -> memref<10240x128xf32, #tpu.memory_space<hbm>>
        %dma_start3A_14 = arith.constant 0 : i32
        %dma_start3A_15 = arith.constant 0 : i32
        %dma_start3A_16 = tpu.memref_slice %dma_start3A_13[%dma_start3A_14, %dma_start3A_15] : memref<10240x128xf32, #tpu.memory_space<hbm>> -> memref<10240x128xf32, #tpu.memory_space<hbm>>
        tpu.enqueue_indirect_dma source(%dma_start3A_16 : memref<10240x128xf32, #tpu.memory_space<hbm>>) target(%arg8 : memref<128x128xf32, #tpu.memory_space<vmem>>) offsets(%dma_start3A_9 : memref<128xi32, #tpu.memory_space<vmem>>) semaphore(%run_scoped3A : memref<!tpu.dma_semaphore, #tpu.memory_space<semaphore_mem>>)
        %dma_wait3A = arith.constant 0 : i32
        %dma_wait3A_17 = tpu.memref_slice %arg6[%scan3A_7, %dma_wait3A] : memref<80x128xi32, #tpu.memory_space<vmem>> -> memref<1x128xi32, #tpu.memory_space<vmem>>
        %dma_wait3A_18 = tpu.memref_squeeze %dma_wait3A_17 : memref<1x128xi32, #tpu.memory_space<vmem>> -> memref<128xi32, #tpu.memory_space<vmem>>
        %dma_wait3A_19 = arith.constant 0 : i32
        %dma_wait3A_20 = arith.constant 0 : i32
        %dma_wait3A_21 = tpu.memref_slice %arg2[%arg0, %dma_wait3A_19, %dma_wait3A_20] : memref<2x10240x128xf32, #tpu.memory_space<hbm>> -> memref<1x10240x128xf32, #tpu.memory_space<hbm>>
        %dma_wait3A_22 = tpu.memref_squeeze %dma_wait3A_21 : memref<1x10240x128xf32, #tpu.memory_space<hbm>> -> memref<10240x128xf32, #tpu.memory_space<hbm>>
        %dma_wait3A_23 = arith.constant 0 : i32
        %dma_wait3A_24 = arith.constant 0 : i32
        %dma_wait3A_25 = tpu.memref_slice %dma_wait3A_22[%dma_wait3A_23, %dma_wait3A_24] : memref<10240x128xf32, #tpu.memory_space<hbm>> -> memref<10240x128xf32, #tpu.memory_space<hbm>>
        tpu.wait_indirect_dma semaphore(%run_scoped3A : memref<!tpu.dma_semaphore, #tpu.memory_space<semaphore_mem>>) src(%dma_wait3A_25 : memref<10240x128xf32, #tpu.memory_space<hbm>>) dst(%arg8 : memref<128x128xf32, #tpu.memory_space<vmem>>)
        tpu.yield
      }) : () -> ()
      "tpu.region"() ({
        %run_scoped3A = tpu.sem_alloc : memref<!tpu.dma_semaphore, #tpu.memory_space<semaphore_mem>>
        %dma_start3A = arith.constant 0 : i32
        %dma_start3A_8 = tpu.memref_slice %arg7[%scan3A_7, %dma_start3A] : memref<80x128xi32, #tpu.memory_space<vmem>> -> memref<1x128xi32, #tpu.memory_space<vmem>>
        %dma_start3A_9 = tpu.memref_squeeze %dma_start3A_8 : memref<1x128xi32, #tpu.memory_space<vmem>> -> memref<128xi32, #tpu.memory_space<vmem>>
        %dma_start3A_10 = arith.constant 0 : i32
        %dma_start3A_11 = arith.constant 0 : i32
        %dma_start3A_12 = tpu.memref_slice %arg9[%dma_start3A_10, %dma_start3A_11] : memref<10240x128xf32, #tpu.memory_space<vmem_shared>> -> memref<10240x128xf32, #tpu.memory_space<vmem_shared>>
        tpu.enqueue_indirect_dma source(%arg8 : memref<128x128xf32, #tpu.memory_space<vmem>>) target(%dma_start3A_12 : memref<10240x128xf32, #tpu.memory_space<vmem_shared>>) offsets(%dma_start3A_9 : memref<128xi32, #tpu.memory_space<vmem>>) semaphore(%run_scoped3A : memref<!tpu.dma_semaphore, #tpu.memory_space<semaphore_mem>>) {add = true}
        %dma_wait3A = arith.constant 0 : i32
        %dma_wait3A_13 = tpu.memref_slice %arg7[%scan3A_7, %dma_wait3A] : memref<80x128xi32, #tpu.memory_space<vmem>> -> memref<1x128xi32, #tpu.memory_space<vmem>>
        %dma_wait3A_14 = tpu.memref_squeeze %dma_wait3A_13 : memref<1x128xi32, #tpu.memory_space<vmem>> -> memref<128xi32, #tpu.memory_space<vmem>>
        %dma_wait3A_15 = arith.constant 0 : i32
        %dma_wait3A_16 = arith.constant 0 : i32
        %dma_wait3A_17 = tpu.memref_slice %arg9[%dma_wait3A_15, %dma_wait3A_16] : memref<10240x128xf32, #tpu.memory_space<vmem_shared>> -> memref<10240x128xf32, #tpu.memory_space<vmem_shared>>
        tpu.wait_indirect_dma semaphore(%run_scoped3A : memref<!tpu.dma_semaphore, #tpu.memory_space<semaphore_mem>>) src(%arg8 : memref<128x128xf32, #tpu.memory_space<vmem>>) dst(%dma_wait3A_17 : memref<10240x128xf32, #tpu.memory_space<vmem_shared>>)
        tpu.yield
      }) : () -> ()
    }
    %scan3A_5 = arith.constant 80 : i32
    %barrier3A_6 = arith.constant 0 : index
    tpu.barrier barrier_id(%barrier3A_6)
    "tpu.region"() ({
      %run_scoped3A = tpu.sem_alloc : memref<!tpu.dma_semaphore, #tpu.memory_space<semaphore_mem>>
      %dma_start3A = arith.constant 0 : i32
      %dma_start3A_7 = tpu.memref_slice %arg5[%arg0, %mul3A_0, %dma_start3A] : memref<2x10240x128xf32, #tpu.memory_space<hbm>> -> memref<1x640x128xf32, #tpu.memory_space<hbm>>
      %dma_start3A_8 = tpu.memref_squeeze %dma_start3A_7 : memref<1x640x128xf32, #tpu.memory_space<hbm>> -> memref<640x128xf32, #tpu.memory_space<hbm>>
      %dma_start3A_9 = arith.constant 0 : i32
      %dma_start3A_10 = tpu.memref_slice %arg9[%mul3A_0, %dma_start3A_9] : memref<10240x128xf32, #tpu.memory_space<vmem_shared>> -> memref<640x128xf32, #tpu.memory_space<vmem_shared>>
      tpu.enqueue_dma source(%dma_start3A_10 : memref<640x128xf32, #tpu.memory_space<vmem_shared>>) target(%dma_start3A_8 : memref<640x128xf32, #tpu.memory_space<hbm>>) target_semaphore(%run_scoped3A : memref<!tpu.dma_semaphore, #tpu.memory_space<semaphore_mem>>)
      %dma_wait3A = arith.constant 0 : i32
      %dma_wait3A_11 = tpu.memref_slice %arg5[%arg0, %mul3A_0, %dma_wait3A] : memref<2x10240x128xf32, #tpu.memory_space<hbm>> -> memref<1x640x128xf32, #tpu.memory_space<hbm>>
      %dma_wait3A_12 = tpu.memref_squeeze %dma_wait3A_11 : memref<1x640x128xf32, #tpu.memory_space<hbm>> -> memref<640x128xf32, #tpu.memory_space<hbm>>
      %dma_wait3A_13 = arith.constant 0 : i32
      %dma_wait3A_14 = tpu.memref_slice %arg9[%mul3A_0, %dma_wait3A_13] : memref<10240x128xf32, #tpu.memory_space<vmem_shared>> -> memref<640x128xf32, #tpu.memory_space<vmem_shared>>
      tpu.wait_dma2 semaphore(%run_scoped3A : memref<!tpu.dma_semaphore, #tpu.memory_space<semaphore_mem>>) src(%dma_wait3A_14 : memref<640x128xf32, #tpu.memory_space<vmem_shared>>) dst(%dma_wait3A_12 : memref<640x128xf32, #tpu.memory_space<hbm>>)
      tpu.yield
    }) : () -> ()
    return
  }
}

#map = affine_map<(d0, d1) -> (0, 0, 0)>
module attributes {stable_mosaic.version = 14 : i64} {
  func.func @_sc_msg(%arg0: i32, %arg1: i32, %arg2: memref<2x10240x128xf32, #tpu.memory_space<hbm>>, %arg3: memref<16x80x128xi32, #tpu.memory_space<hbm>>, %arg4: memref<16x80x128xi32, #tpu.memory_space<hbm>>, %arg5: memref<2x10240x128xf32, #tpu.memory_space<hbm>>, %arg6: memref<80x128xi32, #tpu.memory_space<vmem>>, %arg7: memref<80x128xi32, #tpu.memory_space<vmem>>, %arg8: memref<128x128xf32, #tpu.memory_space<vmem>>, %arg9: memref<10240x128xf32, #tpu.memory_space<vmem_shared>>) attributes {dimension_semantics = [#tpu.dimension_semantics<core_parallel>, #tpu.dimension_semantics<subcore_parallel>], iteration_bounds = array<i64: 2, 16>, scalar_prefetch = 0 : i64, scratch_operands = 4 : i64, tpu.core_type = #tpu.core_type<sc_vector_subcore>, window_params = [{transform_indices = #map}, {transform_indices = #map}, {transform_indices = #map}, {transform_indices = #map}]} {
    %mul3A = arith.constant 640 : i32
    %mul3A_0 = arith.muli %arg1, %mul3A : i32
    "tpu.region"() ({
      %run_scoped3A = tpu.sem_alloc : memref<!tpu.dma_semaphore, #tpu.memory_space<semaphore_mem>>
      %dma_start3A = arith.constant 0 : i32
      %dma_start3A_7 = tpu.memref_slice %arg9[%mul3A_0, %dma_start3A] : memref<10240x128xf32, #tpu.memory_space<vmem_shared>> -> memref<640x128xf32, #tpu.memory_space<vmem_shared>>
      %dma_start3A_8 = arith.constant 0 : i32
      %dma_start3A_9 = tpu.memref_slice %arg2[%arg0, %mul3A_0, %dma_start3A_8] : memref<2x10240x128xf32, #tpu.memory_space<hbm>> -> memref<1x640x128xf32, #tpu.memory_space<hbm>>
      %dma_start3A_10 = tpu.memref_squeeze %dma_start3A_9 : memref<1x640x128xf32, #tpu.memory_space<hbm>> -> memref<640x128xf32, #tpu.memory_space<hbm>>
      tpu.enqueue_dma source(%dma_start3A_10 : memref<640x128xf32, #tpu.memory_space<hbm>>) target(%dma_start3A_7 : memref<640x128xf32, #tpu.memory_space<vmem_shared>>) target_semaphore(%run_scoped3A : memref<!tpu.dma_semaphore, #tpu.memory_space<semaphore_mem>>)
      %dma_wait3A = arith.constant 0 : i32
      %dma_wait3A_11 = tpu.memref_slice %arg9[%mul3A_0, %dma_wait3A] : memref<10240x128xf32, #tpu.memory_space<vmem_shared>> -> memref<640x128xf32, #tpu.memory_space<vmem_shared>>
      %dma_wait3A_12 = arith.constant 0 : i32
      %dma_wait3A_13 = tpu.memref_slice %arg2[%arg0, %mul3A_0, %dma_wait3A_12] : memref<2x10240x128xf32, #tpu.memory_space<hbm>> -> memref<1x640x128xf32, #tpu.memory_space<hbm>>
      %dma_wait3A_14 = tpu.memref_squeeze %dma_wait3A_13 : memref<1x640x128xf32, #tpu.memory_space<hbm>> -> memref<640x128xf32, #tpu.memory_space<hbm>>
      tpu.wait_dma2 semaphore(%run_scoped3A : memref<!tpu.dma_semaphore, #tpu.memory_space<semaphore_mem>>) src(%dma_wait3A_14 : memref<640x128xf32, #tpu.memory_space<hbm>>) dst(%dma_wait3A_11 : memref<640x128xf32, #tpu.memory_space<vmem_shared>>)
      tpu.yield
    }) : () -> ()
    "tpu.region"() ({
      %run_scoped3A = tpu.sem_alloc : memref<!tpu.dma_semaphore, #tpu.memory_space<semaphore_mem>>
      %dma_start3A = arith.constant 0 : i32
      %dma_start3A_7 = arith.constant 0 : i32
      %dma_start3A_8 = tpu.memref_slice %arg3[%arg1, %dma_start3A, %dma_start3A_7] : memref<16x80x128xi32, #tpu.memory_space<hbm>> -> memref<1x80x128xi32, #tpu.memory_space<hbm>>
      %dma_start3A_9 = tpu.memref_squeeze %dma_start3A_8 : memref<1x80x128xi32, #tpu.memory_space<hbm>> -> memref<80x128xi32, #tpu.memory_space<hbm>>
      %dma_start3A_10 = arith.constant 0 : i32
      %dma_start3A_11 = arith.constant 0 : i32
      %dma_start3A_12 = tpu.memref_slice %arg3[%arg1, %dma_start3A_10, %dma_start3A_11] : memref<16x80x128xi32, #tpu.memory_space<hbm>> -> memref<1x80x128xi32, #tpu.memory_space<hbm>>
      %dma_start3A_13 = tpu.memref_squeeze %dma_start3A_12 : memref<1x80x128xi32, #tpu.memory_space<hbm>> -> memref<80x128xi32, #tpu.memory_space<hbm>>
      tpu.enqueue_dma source(%dma_start3A_13 : memref<80x128xi32, #tpu.memory_space<hbm>>) target(%arg6 : memref<80x128xi32, #tpu.memory_space<vmem>>) target_semaphore(%run_scoped3A : memref<!tpu.dma_semaphore, #tpu.memory_space<semaphore_mem>>)
      %dma_wait3A = arith.constant 0 : i32
      %dma_wait3A_14 = arith.constant 0 : i32
      %dma_wait3A_15 = tpu.memref_slice %arg3[%arg1, %dma_wait3A, %dma_wait3A_14] : memref<16x80x128xi32, #tpu.memory_space<hbm>> -> memref<1x80x128xi32, #tpu.memory_space<hbm>>
      %dma_wait3A_16 = tpu.memref_squeeze %dma_wait3A_15 : memref<1x80x128xi32, #tpu.memory_space<hbm>> -> memref<80x128xi32, #tpu.memory_space<hbm>>
      %dma_wait3A_17 = arith.constant 0 : i32
      %dma_wait3A_18 = arith.constant 0 : i32
      %dma_wait3A_19 = tpu.memref_slice %arg3[%arg1, %dma_wait3A_17, %dma_wait3A_18] : memref<16x80x128xi32, #tpu.memory_space<hbm>> -> memref<1x80x128xi32, #tpu.memory_space<hbm>>
      %dma_wait3A_20 = tpu.memref_squeeze %dma_wait3A_19 : memref<1x80x128xi32, #tpu.memory_space<hbm>> -> memref<80x128xi32, #tpu.memory_space<hbm>>
      tpu.wait_dma2 semaphore(%run_scoped3A : memref<!tpu.dma_semaphore, #tpu.memory_space<semaphore_mem>>) src(%dma_wait3A_20 : memref<80x128xi32, #tpu.memory_space<hbm>>) dst(%arg6 : memref<80x128xi32, #tpu.memory_space<vmem>>)
      tpu.yield
    }) : () -> ()
    "tpu.region"() ({
      %run_scoped3A = tpu.sem_alloc : memref<!tpu.dma_semaphore, #tpu.memory_space<semaphore_mem>>
      %dma_start3A = arith.constant 0 : i32
      %dma_start3A_7 = arith.constant 0 : i32
      %dma_start3A_8 = tpu.memref_slice %arg4[%arg1, %dma_start3A, %dma_start3A_7] : memref<16x80x128xi32, #tpu.memory_space<hbm>> -> memref<1x80x128xi32, #tpu.memory_space<hbm>>
      %dma_start3A_9 = tpu.memref_squeeze %dma_start3A_8 : memref<1x80x128xi32, #tpu.memory_space<hbm>> -> memref<80x128xi32, #tpu.memory_space<hbm>>
      %dma_start3A_10 = arith.constant 0 : i32
      %dma_start3A_11 = arith.constant 0 : i32
      %dma_start3A_12 = tpu.memref_slice %arg4[%arg1, %dma_start3A_10, %dma_start3A_11] : memref<16x80x128xi32, #tpu.memory_space<hbm>> -> memref<1x80x128xi32, #tpu.memory_space<hbm>>
      %dma_start3A_13 = tpu.memref_squeeze %dma_start3A_12 : memref<1x80x128xi32, #tpu.memory_space<hbm>> -> memref<80x128xi32, #tpu.memory_space<hbm>>
      tpu.enqueue_dma source(%dma_start3A_13 : memref<80x128xi32, #tpu.memory_space<hbm>>) target(%arg7 : memref<80x128xi32, #tpu.memory_space<vmem>>) target_semaphore(%run_scoped3A : memref<!tpu.dma_semaphore, #tpu.memory_space<semaphore_mem>>)
      %dma_wait3A = arith.constant 0 : i32
      %dma_wait3A_14 = arith.constant 0 : i32
      %dma_wait3A_15 = tpu.memref_slice %arg4[%arg1, %dma_wait3A, %dma_wait3A_14] : memref<16x80x128xi32, #tpu.memory_space<hbm>> -> memref<1x80x128xi32, #tpu.memory_space<hbm>>
      %dma_wait3A_16 = tpu.memref_squeeze %dma_wait3A_15 : memref<1x80x128xi32, #tpu.memory_space<hbm>> -> memref<80x128xi32, #tpu.memory_space<hbm>>
      %dma_wait3A_17 = arith.constant 0 : i32
      %dma_wait3A_18 = arith.constant 0 : i32
      %dma_wait3A_19 = tpu.memref_slice %arg4[%arg1, %dma_wait3A_17, %dma_wait3A_18] : memref<16x80x128xi32, #tpu.memory_space<hbm>> -> memref<1x80x128xi32, #tpu.memory_space<hbm>>
      %dma_wait3A_20 = tpu.memref_squeeze %dma_wait3A_19 : memref<1x80x128xi32, #tpu.memory_space<hbm>> -> memref<80x128xi32, #tpu.memory_space<hbm>>
      tpu.wait_dma2 semaphore(%run_scoped3A : memref<!tpu.dma_semaphore, #tpu.memory_space<semaphore_mem>>) src(%dma_wait3A_20 : memref<80x128xi32, #tpu.memory_space<hbm>>) dst(%arg7 : memref<80x128xi32, #tpu.memory_space<vmem>>)
      tpu.yield
    }) : () -> ()
    %barrier3A = arith.constant 0 : index
    tpu.barrier barrier_id(%barrier3A)
    %scan3A = arith.constant 0 : i32
    %scan3A_1 = arith.constant 0 : i32
    %scan3A_2 = arith.constant 80 : i32
    %scan3A_3 = arith.addi %scan3A_1, %scan3A_2 : i32
    %scan3A_4 = arith.constant 1 : i32
    scf.for %scan3A_7 = %scan3A_1 to %scan3A_3 step %scan3A_4  : i32 {
      "tpu.region"() ({
        %run_scoped3A = tpu.sem_alloc : memref<!tpu.dma_semaphore, #tpu.memory_space<semaphore_mem>>
        %dma_start3A = arith.constant 0 : i32
        %dma_start3A_8 = tpu.memref_slice %arg6[%scan3A_7, %dma_start3A] : memref<80x128xi32, #tpu.memory_space<vmem>> -> memref<1x128xi32, #tpu.memory_space<vmem>>
        %dma_start3A_9 = tpu.memref_squeeze %dma_start3A_8 : memref<1x128xi32, #tpu.memory_space<vmem>> -> memref<128xi32, #tpu.memory_space<vmem>>
        %dma_start3A_10 = arith.constant 0 : i32
        %dma_start3A_11 = arith.constant 0 : i32
        %dma_start3A_12 = tpu.memref_slice %arg2[%arg0, %dma_start3A_10, %dma_start3A_11] : memref<2x10240x128xf32, #tpu.memory_space<hbm>> -> memref<1x10240x128xf32, #tpu.memory_space<hbm>>
        %dma_start3A_13 = tpu.memref_squeeze %dma_start3A_12 : memref<1x10240x128xf32, #tpu.memory_space<hbm>> -> memref<10240x128xf32, #tpu.memory_space<hbm>>
        %dma_start3A_14 = arith.constant 0 : i32
        %dma_start3A_15 = arith.constant 0 : i32
        %dma_start3A_16 = tpu.memref_slice %dma_start3A_13[%dma_start3A_14, %dma_start3A_15] : memref<10240x128xf32, #tpu.memory_space<hbm>> -> memref<10240x128xf32, #tpu.memory_space<hbm>>
        tpu.enqueue_indirect_dma source(%dma_start3A_16 : memref<10240x128xf32, #tpu.memory_space<hbm>>) target(%arg8 : memref<128x128xf32, #tpu.memory_space<vmem>>) offsets(%dma_start3A_9 : memref<128xi32, #tpu.memory_space<vmem>>) semaphore(%run_scoped3A : memref<!tpu.dma_semaphore, #tpu.memory_space<semaphore_mem>>)
        %dma_wait3A = arith.constant 0 : i32
        %dma_wait3A_17 = tpu.memref_slice %arg6[%scan3A_7, %dma_wait3A] : memref<80x128xi32, #tpu.memory_space<vmem>> -> memref<1x128xi32, #tpu.memory_space<vmem>>
        %dma_wait3A_18 = tpu.memref_squeeze %dma_wait3A_17 : memref<1x128xi32, #tpu.memory_space<vmem>> -> memref<128xi32, #tpu.memory_space<vmem>>
        %dma_wait3A_19 = arith.constant 0 : i32
        %dma_wait3A_20 = arith.constant 0 : i32
        %dma_wait3A_21 = tpu.memref_slice %arg2[%arg0, %dma_wait3A_19, %dma_wait3A_20] : memref<2x10240x128xf32, #tpu.memory_space<hbm>> -> memref<1x10240x128xf32, #tpu.memory_space<hbm>>
        %dma_wait3A_22 = tpu.memref_squeeze %dma_wait3A_21 : memref<1x10240x128xf32, #tpu.memory_space<hbm>> -> memref<10240x128xf32, #tpu.memory_space<hbm>>
        %dma_wait3A_23 = arith.constant 0 : i32
        %dma_wait3A_24 = arith.constant 0 : i32
        %dma_wait3A_25 = tpu.memref_slice %dma_wait3A_22[%dma_wait3A_23, %dma_wait3A_24] : memref<10240x128xf32, #tpu.memory_space<hbm>> -> memref<10240x128xf32, #tpu.memory_space<hbm>>
        tpu.wait_indirect_dma semaphore(%run_scoped3A : memref<!tpu.dma_semaphore, #tpu.memory_space<semaphore_mem>>) src(%dma_wait3A_25 : memref<10240x128xf32, #tpu.memory_space<hbm>>) dst(%arg8 : memref<128x128xf32, #tpu.memory_space<vmem>>)
        tpu.yield
      }) : () -> ()
      "tpu.region"() ({
        %run_scoped3A = tpu.sem_alloc : memref<!tpu.dma_semaphore, #tpu.memory_space<semaphore_mem>>
        %dma_start3A = arith.constant 0 : i32
        %dma_start3A_8 = tpu.memref_slice %arg7[%scan3A_7, %dma_start3A] : memref<80x128xi32, #tpu.memory_space<vmem>> -> memref<1x128xi32, #tpu.memory_space<vmem>>
        %dma_start3A_9 = tpu.memref_squeeze %dma_start3A_8 : memref<1x128xi32, #tpu.memory_space<vmem>> -> memref<128xi32, #tpu.memory_space<vmem>>
        %dma_start3A_10 = arith.constant 0 : i32
        %dma_start3A_11 = arith.constant 0 : i32
        %dma_start3A_12 = tpu.memref_slice %arg9[%dma_start3A_10, %dma_start3A_11] : memref<10240x128xf32, #tpu.memory_space<vmem_shared>> -> memref<10240x128xf32, #tpu.memory_space<vmem_shared>>
        tpu.enqueue_indirect_dma source(%arg8 : memref<128x128xf32, #tpu.memory_space<vmem>>) target(%dma_start3A_12 : memref<10240x128xf32, #tpu.memory_space<vmem_shared>>) offsets(%dma_start3A_9 : memref<128xi32, #tpu.memory_space<vmem>>) semaphore(%run_scoped3A : memref<!tpu.dma_semaphore, #tpu.memory_space<semaphore_mem>>) {add = true}
        %dma_wait3A = arith.constant 0 : i32
        %dma_wait3A_13 = tpu.memref_slice %arg7[%scan3A_7, %dma_wait3A] : memref<80x128xi32, #tpu.memory_space<vmem>> -> memref<1x128xi32, #tpu.memory_space<vmem>>
        %dma_wait3A_14 = tpu.memref_squeeze %dma_wait3A_13 : memref<1x128xi32, #tpu.memory_space<vmem>> -> memref<128xi32, #tpu.memory_space<vmem>>
        %dma_wait3A_15 = arith.constant 0 : i32
        %dma_wait3A_16 = arith.constant 0 : i32
        %dma_wait3A_17 = tpu.memref_slice %arg9[%dma_wait3A_15, %dma_wait3A_16] : memref<10240x128xf32, #tpu.memory_space<vmem_shared>> -> memref<10240x128xf32, #tpu.memory_space<vmem_shared>>
        tpu.wait_indirect_dma semaphore(%run_scoped3A : memref<!tpu.dma_semaphore, #tpu.memory_space<semaphore_mem>>) src(%arg8 : memref<128x128xf32, #tpu.memory_space<vmem>>) dst(%dma_wait3A_17 : memref<10240x128xf32, #tpu.memory_space<vmem_shared>>)
        tpu.yield
      }) : () -> ()
    }
    %scan3A_5 = arith.constant 80 : i32
    %barrier3A_6 = arith.constant 0 : index
    tpu.barrier barrier_id(%barrier3A_6)
    "tpu.region"() ({
      %run_scoped3A = tpu.sem_alloc : memref<!tpu.dma_semaphore, #tpu.memory_space<semaphore_mem>>
      %dma_start3A = arith.constant 0 : i32
      %dma_start3A_7 = tpu.memref_slice %arg5[%arg0, %mul3A_0, %dma_start3A] : memref<2x10240x128xf32, #tpu.memory_space<hbm>> -> memref<1x640x128xf32, #tpu.memory_space<hbm>>
      %dma_start3A_8 = tpu.memref_squeeze %dma_start3A_7 : memref<1x640x128xf32, #tpu.memory_space<hbm>> -> memref<640x128xf32, #tpu.memory_space<hbm>>
      %dma_start3A_9 = arith.constant 0 : i32
      %dma_start3A_10 = tpu.memref_slice %arg9[%mul3A_0, %dma_start3A_9] : memref<10240x128xf32, #tpu.memory_space<vmem_shared>> -> memref<640x128xf32, #tpu.memory_space<vmem_shared>>
      tpu.enqueue_dma source(%dma_start3A_10 : memref<640x128xf32, #tpu.memory_space<vmem_shared>>) target(%dma_start3A_8 : memref<640x128xf32, #tpu.memory_space<hbm>>) target_semaphore(%run_scoped3A : memref<!tpu.dma_semaphore, #tpu.memory_space<semaphore_mem>>)
      %dma_wait3A = arith.constant 0 : i32
      %dma_wait3A_11 = tpu.memref_slice %arg5[%arg0, %mul3A_0, %dma_wait3A] : memref<2x10240x128xf32, #tpu.memory_space<hbm>> -> memref<1x640x128xf32, #tpu.memory_space<hbm>>
      %dma_wait3A_12 = tpu.memref_squeeze %dma_wait3A_11 : memref<1x640x128xf32, #tpu.memory_space<hbm>> -> memref<640x128xf32, #tpu.memory_space<hbm>>
      %dma_wait3A_13 = arith.constant 0 : i32
      %dma_wait3A_14 = tpu.memref_slice %arg9[%mul3A_0, %dma_wait3A_13] : memref<10240x128xf32, #tpu.memory_space<vmem_shared>> -> memref<640x128xf32, #tpu.memory_space<vmem_shared>>
      tpu.wait_dma2 semaphore(%run_scoped3A : memref<!tpu.dma_semaphore, #tpu.memory_space<semaphore_mem>>) src(%dma_wait3A_14 : memref<640x128xf32, #tpu.memory_space<vmem_shared>>) dst(%dma_wait3A_12 : memref<640x128xf32, #tpu.memory_space<hbm>>)
      tpu.yield
    }) : () -> ()
    return
  }
}

#map = affine_map<(d0, d1) -> (0, 0, 0)>
#map1 = affine_map<(d0, d1) -> (0, 0)>
module attributes {stable_mosaic.version = 14 : i64} {
  func.func @_sc_deg(%arg0: i32, %arg1: i32, %arg2: memref<16x80x128xi32, #tpu.memory_space<hbm>>, %arg3: memref<128x128xf32, #tpu.memory_space<hbm>>, %arg4: memref<640x128xf32, #tpu.memory_space<hbm>>, %arg5: memref<2x10240x128xf32, #tpu.memory_space<hbm>>, %arg6: memref<80x128xi32, #tpu.memory_space<vmem>>, %arg7: memref<128x128xf32, #tpu.memory_space<vmem>>, %arg8: memref<10240x128xf32, #tpu.memory_space<vmem_shared>>) attributes {dimension_semantics = [#tpu.dimension_semantics<core_parallel>, #tpu.dimension_semantics<subcore_parallel>], iteration_bounds = array<i64: 2, 16>, scalar_prefetch = 0 : i64, scratch_operands = 3 : i64, tpu.core_type = #tpu.core_type<sc_vector_subcore>, window_params = [{transform_indices = #map}, {transform_indices = #map1}, {transform_indices = #map1}, {transform_indices = #map}]} {
    %mul3A = arith.constant 640 : i32
    %mul3A_0 = arith.muli %arg1, %mul3A : i32
    "tpu.region"() ({
      %run_scoped3A = tpu.sem_alloc : memref<!tpu.dma_semaphore, #tpu.memory_space<semaphore_mem>>
      %dma_start3A = arith.constant 0 : i32
      %dma_start3A_9 = tpu.memref_slice %arg8[%mul3A_0, %dma_start3A] : memref<10240x128xf32, #tpu.memory_space<vmem_shared>> -> memref<640x128xf32, #tpu.memory_space<vmem_shared>>
      tpu.enqueue_dma source(%arg4 : memref<640x128xf32, #tpu.memory_space<hbm>>) target(%dma_start3A_9 : memref<640x128xf32, #tpu.memory_space<vmem_shared>>) target_semaphore(%run_scoped3A : memref<!tpu.dma_semaphore, #tpu.memory_space<semaphore_mem>>)
      %dma_wait3A = arith.constant 0 : i32
      %dma_wait3A_10 = tpu.memref_slice %arg8[%mul3A_0, %dma_wait3A] : memref<10240x128xf32, #tpu.memory_space<vmem_shared>> -> memref<640x128xf32, #tpu.memory_space<vmem_shared>>
      tpu.wait_dma2 semaphore(%run_scoped3A : memref<!tpu.dma_semaphore, #tpu.memory_space<semaphore_mem>>) src(%arg4 : memref<640x128xf32, #tpu.memory_space<hbm>>) dst(%dma_wait3A_10 : memref<640x128xf32, #tpu.memory_space<vmem_shared>>)
      tpu.yield
    }) : () -> ()
    "tpu.region"() ({
      %run_scoped3A = tpu.sem_alloc : memref<!tpu.dma_semaphore, #tpu.memory_space<semaphore_mem>>
      tpu.enqueue_dma source(%arg3 : memref<128x128xf32, #tpu.memory_space<hbm>>) target(%arg7 : memref<128x128xf32, #tpu.memory_space<vmem>>) target_semaphore(%run_scoped3A : memref<!tpu.dma_semaphore, #tpu.memory_space<semaphore_mem>>)
      tpu.wait_dma2 semaphore(%run_scoped3A : memref<!tpu.dma_semaphore, #tpu.memory_space<semaphore_mem>>) src(%arg3 : memref<128x128xf32, #tpu.memory_space<hbm>>) dst(%arg7 : memref<128x128xf32, #tpu.memory_space<vmem>>)
      tpu.yield
    }) : () -> ()
    "tpu.region"() ({
      %run_scoped3A = tpu.sem_alloc : memref<!tpu.dma_semaphore, #tpu.memory_space<semaphore_mem>>
      %dma_start3A = arith.constant 0 : i32
      %dma_start3A_9 = arith.constant 0 : i32
      %dma_start3A_10 = tpu.memref_slice %arg2[%arg1, %dma_start3A, %dma_start3A_9] : memref<16x80x128xi32, #tpu.memory_space<hbm>> -> memref<1x80x128xi32, #tpu.memory_space<hbm>>
      %dma_start3A_11 = tpu.memref_squeeze %dma_start3A_10 : memref<1x80x128xi32, #tpu.memory_space<hbm>> -> memref<80x128xi32, #tpu.memory_space<hbm>>
      %dma_start3A_12 = arith.constant 0 : i32
      %dma_start3A_13 = arith.constant 0 : i32
      %dma_start3A_14 = tpu.memref_slice %arg2[%arg1, %dma_start3A_12, %dma_start3A_13] : memref<16x80x128xi32, #tpu.memory_space<hbm>> -> memref<1x80x128xi32, #tpu.memory_space<hbm>>
      %dma_start3A_15 = tpu.memref_squeeze %dma_start3A_14 : memref<1x80x128xi32, #tpu.memory_space<hbm>> -> memref<80x128xi32, #tpu.memory_space<hbm>>
      tpu.enqueue_dma source(%dma_start3A_15 : memref<80x128xi32, #tpu.memory_space<hbm>>) target(%arg6 : memref<80x128xi32, #tpu.memory_space<vmem>>) target_semaphore(%run_scoped3A : memref<!tpu.dma_semaphore, #tpu.memory_space<semaphore_mem>>)
      %dma_wait3A = arith.constant 0 : i32
      %dma_wait3A_16 = arith.constant 0 : i32
      %dma_wait3A_17 = tpu.memref_slice %arg2[%arg1, %dma_wait3A, %dma_wait3A_16] : memref<16x80x128xi32, #tpu.memory_space<hbm>> -> memref<1x80x128xi32, #tpu.memory_space<hbm>>
      %dma_wait3A_18 = tpu.memref_squeeze %dma_wait3A_17 : memref<1x80x128xi32, #tpu.memory_space<hbm>> -> memref<80x128xi32, #tpu.memory_space<hbm>>
      %dma_wait3A_19 = arith.constant 0 : i32
      %dma_wait3A_20 = arith.constant 0 : i32
      %dma_wait3A_21 = tpu.memref_slice %arg2[%arg1, %dma_wait3A_19, %dma_wait3A_20] : memref<16x80x128xi32, #tpu.memory_space<hbm>> -> memref<1x80x128xi32, #tpu.memory_space<hbm>>
      %dma_wait3A_22 = tpu.memref_squeeze %dma_wait3A_21 : memref<1x80x128xi32, #tpu.memory_space<hbm>> -> memref<80x128xi32, #tpu.memory_space<hbm>>
      tpu.wait_dma2 semaphore(%run_scoped3A : memref<!tpu.dma_semaphore, #tpu.memory_space<semaphore_mem>>) src(%dma_wait3A_22 : memref<80x128xi32, #tpu.memory_space<hbm>>) dst(%arg6 : memref<80x128xi32, #tpu.memory_space<vmem>>)
      tpu.yield
    }) : () -> ()
    %barrier3A = arith.constant 0 : index
    tpu.barrier barrier_id(%barrier3A)
    %mul3A_1 = arith.constant 40 : i32
    %mul3A_2 = arith.muli %arg0, %mul3A_1 : i32
    %scan3A = arith.constant 0 : i32
    %scan3A_3 = arith.constant 0 : i32
    %scan3A_4 = arith.constant 40 : i32
    %scan3A_5 = arith.addi %scan3A_3, %scan3A_4 : i32
    %scan3A_6 = arith.constant 1 : i32
    scf.for %scan3A_9 = %scan3A_3 to %scan3A_5 step %scan3A_6  : i32 {
      %add3A = arith.addi %mul3A_2, %scan3A_9 : i32
      "tpu.region"() ({
        %run_scoped3A = tpu.sem_alloc : memref<!tpu.dma_semaphore, #tpu.memory_space<semaphore_mem>>
        %dma_start3A = arith.constant 0 : i32
        %dma_start3A_10 = tpu.memref_slice %arg6[%add3A, %dma_start3A] : memref<80x128xi32, #tpu.memory_space<vmem>> -> memref<1x128xi32, #tpu.memory_space<vmem>>
        %dma_start3A_11 = tpu.memref_squeeze %dma_start3A_10 : memref<1x128xi32, #tpu.memory_space<vmem>> -> memref<128xi32, #tpu.memory_space<vmem>>
        %dma_start3A_12 = arith.constant 0 : i32
        %dma_start3A_13 = arith.constant 0 : i32
        %dma_start3A_14 = tpu.memref_slice %arg8[%dma_start3A_12, %dma_start3A_13] : memref<10240x128xf32, #tpu.memory_space<vmem_shared>> -> memref<10240x128xf32, #tpu.memory_space<vmem_shared>>
        tpu.enqueue_indirect_dma source(%arg7 : memref<128x128xf32, #tpu.memory_space<vmem>>) target(%dma_start3A_14 : memref<10240x128xf32, #tpu.memory_space<vmem_shared>>) offsets(%dma_start3A_11 : memref<128xi32, #tpu.memory_space<vmem>>) semaphore(%run_scoped3A : memref<!tpu.dma_semaphore, #tpu.memory_space<semaphore_mem>>) {add = true}
        %dma_wait3A = arith.constant 0 : i32
        %dma_wait3A_15 = tpu.memref_slice %arg6[%add3A, %dma_wait3A] : memref<80x128xi32, #tpu.memory_space<vmem>> -> memref<1x128xi32, #tpu.memory_space<vmem>>
        %dma_wait3A_16 = tpu.memref_squeeze %dma_wait3A_15 : memref<1x128xi32, #tpu.memory_space<vmem>> -> memref<128xi32, #tpu.memory_space<vmem>>
        %dma_wait3A_17 = arith.constant 0 : i32
        %dma_wait3A_18 = arith.constant 0 : i32
        %dma_wait3A_19 = tpu.memref_slice %arg8[%dma_wait3A_17, %dma_wait3A_18] : memref<10240x128xf32, #tpu.memory_space<vmem_shared>> -> memref<10240x128xf32, #tpu.memory_space<vmem_shared>>
        tpu.wait_indirect_dma semaphore(%run_scoped3A : memref<!tpu.dma_semaphore, #tpu.memory_space<semaphore_mem>>) src(%arg7 : memref<128x128xf32, #tpu.memory_space<vmem>>) dst(%dma_wait3A_19 : memref<10240x128xf32, #tpu.memory_space<vmem_shared>>)
        tpu.yield
      }) : () -> ()
    }
    %scan3A_7 = arith.constant 40 : i32
    %barrier3A_8 = arith.constant 0 : index
    tpu.barrier barrier_id(%barrier3A_8)
    "tpu.region"() ({
      %run_scoped3A = tpu.sem_alloc : memref<!tpu.dma_semaphore, #tpu.memory_space<semaphore_mem>>
      %dma_start3A = arith.constant 0 : i32
      %dma_start3A_9 = tpu.memref_slice %arg5[%arg0, %mul3A_0, %dma_start3A] : memref<2x10240x128xf32, #tpu.memory_space<hbm>> -> memref<1x640x128xf32, #tpu.memory_space<hbm>>
      %dma_start3A_10 = tpu.memref_squeeze %dma_start3A_9 : memref<1x640x128xf32, #tpu.memory_space<hbm>> -> memref<640x128xf32, #tpu.memory_space<hbm>>
      %dma_start3A_11 = arith.constant 0 : i32
      %dma_start3A_12 = tpu.memref_slice %arg8[%mul3A_0, %dma_start3A_11] : memref<10240x128xf32, #tpu.memory_space<vmem_shared>> -> memref<640x128xf32, #tpu.memory_space<vmem_shared>>
      tpu.enqueue_dma source(%dma_start3A_12 : memref<640x128xf32, #tpu.memory_space<vmem_shared>>) target(%dma_start3A_10 : memref<640x128xf32, #tpu.memory_space<hbm>>) target_semaphore(%run_scoped3A : memref<!tpu.dma_semaphore, #tpu.memory_space<semaphore_mem>>)
      %dma_wait3A = arith.constant 0 : i32
      %dma_wait3A_13 = tpu.memref_slice %arg5[%arg0, %mul3A_0, %dma_wait3A] : memref<2x10240x128xf32, #tpu.memory_space<hbm>> -> memref<1x640x128xf32, #tpu.memory_space<hbm>>
      %dma_wait3A_14 = tpu.memref_squeeze %dma_wait3A_13 : memref<1x640x128xf32, #tpu.memory_space<hbm>> -> memref<640x128xf32, #tpu.memory_space<hbm>>
      %dma_wait3A_15 = arith.constant 0 : i32
      %dma_wait3A_16 = tpu.memref_slice %arg8[%mul3A_0, %dma_wait3A_15] : memref<10240x128xf32, #tpu.memory_space<vmem_shared>> -> memref<640x128xf32, #tpu.memory_space<vmem_shared>>
      tpu.wait_dma2 semaphore(%run_scoped3A : memref<!tpu.dma_semaphore, #tpu.memory_space<semaphore_mem>>) src(%dma_wait3A_16 : memref<640x128xf32, #tpu.memory_space<vmem_shared>>) dst(%dma_wait3A_14 : memref<640x128xf32, #tpu.memory_space<hbm>>)
      tpu.yield
    }) : () -> ()
    return
  }
}

module attributes {stable_mosaic.version = 14 : i64} {
  func.func @_tc1_body(%arg0: i32, %arg1: i32, %arg2: memref<512x256xf32, #tpu.memory_space<vmem>>, %arg3: memref<256x128xf32, #tpu.memory_space<vmem>>, %arg4: memref<512x1xf32, #tpu.memory_space<vmem>>, %arg5: memref<512x1xf32, #tpu.memory_space<vmem>>, %arg6: memref<1x512x128xf32, #tpu.memory_space<vmem>>, %arg7: memref<512x1xf32, #tpu.memory_space<vmem>>) attributes {dimension_semantics = [#tpu.dimension_semantics<arbitrary>, #tpu.dimension_semantics<arbitrary>], iteration_bounds = array<i64: 20, 2>, scalar_prefetch = 0 : i64, scratch_operands = 0 : i64, tpu.core_type = #tpu.core_type<tc>, window_params = [{transform_indices = @transform_0, window_bounds = array<i64: 512, 256>}, {transform_indices = @transform_1, window_bounds = array<i64: 256, 128>}, {transform_indices = @transform_2, window_bounds = array<i64: 512, 1>}, {transform_indices = @transform_3, window_bounds = array<i64: 512, 1>}, {transform_indices = @transform_4, window_bounds = array<i64: 1, 512, 128>}, {transform_indices = @transform_5, window_bounds = array<i64: 512, 1>}]} {
    %get3A = arith.constant 0 : index
    %get3A_0 = arith.constant 0 : index
    %get3A_1 = vector.load %arg4[%get3A, %get3A_0] : memref<512x1xf32, #tpu.memory_space<vmem>>, vector<512x1xf32>
    %get3A_2 = arith.constant 0 : index
    %get3A_3 = arith.constant 0 : index
    %get3A_4 = vector.load %arg5[%get3A_2, %get3A_3] : memref<512x1xf32, #tpu.memory_space<vmem>>, vector<512x1xf32>
    %add3A = arith.addf %get3A_1, %get3A_4 : vector<512x1xf32>
    %swap3A = arith.constant 0 : index
    %swap3A_5 = arith.constant 0 : index
    %swap3A_6 = vector.load %arg7[%swap3A, %swap3A_5] : memref<512x1xf32, #tpu.memory_space<vmem>>, vector<512x1xf32>
    tpu.vector_store %arg7[%swap3A, %swap3A_5], %add3A {strides = array<i32>} : memref<512x1xf32, #tpu.memory_space<vmem>>, vector<512x1xf32>,
    %add3A_7 = arith.constant 1.000000e+00 : f32
    %add3A_8 = vector.broadcast %add3A_7 : f32 to vector<512x1xf32>
    %add3A_9 = arith.addf %add3A, %add3A_8 : vector<512x1xf32>
    %rsqrt3A = math.rsqrt %add3A_9 : vector<512x1xf32>
    %get3A_10 = arith.constant 0 : index
    %get3A_11 = arith.constant 0 : index
    %get3A_12 = vector.load %arg2[%get3A_10, %get3A_11] : memref<512x256xf32, #tpu.memory_space<vmem>>, vector<512x256xf32>
    %get3A_13 = arith.constant 0 : index
    %get3A_14 = arith.constant 0 : index
    %get3A_15 = vector.load %arg3[%get3A_13, %get3A_14] : memref<256x128xf32, #tpu.memory_space<vmem>>, vector<256x128xf32>
    %dot_general3A = arith.constant dense<0.000000e+00> : vector<512x128xf32>
    %dot_general3A_16 = tpu.matmul %get3A_12, %get3A_15, %dot_general3A {dimension_numbers = #tpu.dot_dimension_numbers<[1], [0], [0], [1], [0, 0, 1, 1], [], []>, precision = #tpu.contract_precision<fp32>, transpose_lhs_hint = false} : vector<512x256xf32>, vector<256x128xf32>, vector<512x128xf32> -> vector<512x128xf32>
    %mul3A = vector.broadcast %rsqrt3A : vector<512x1xf32> to vector<512x128xf32>
    %mul3A_17 = arith.mulf %dot_general3A_16, %mul3A : vector<512x128xf32>
    %broadcast_in_dim3A = vector.shape_cast %mul3A_17 : vector<512x128xf32> to vector<1x512x128xf32>
    %swap3A_18 = arith.constant 0 : index
    %swap3A_19 = arith.constant 0 : index
    %swap3A_20 = arith.constant 0 : index
    %swap3A_21 = vector.load %arg6[%swap3A_18, %swap3A_19, %swap3A_20] : memref<1x512x128xf32, #tpu.memory_space<vmem>>, vector<1x512x128xf32>
    tpu.vector_store %arg6[%swap3A_18, %swap3A_19, %swap3A_20], %broadcast_in_dim3A {strides = array<i32>} : memref<1x512x128xf32, #tpu.memory_space<vmem>>, vector<1x512x128xf32>,
    return
  }
  func.func @transform_0(%arg0: i32, %arg1: i32) -> (i32, i32) {
    %c0_i32 = arith.constant 0 : i32
    %c0_i32_0 = arith.constant 0 : i32
    return %arg0, %c0_i32 : i32, i32
  }
  func.func @transform_1(%arg0: i32, %arg1: i32) -> (i32, i32) {
    %c0_i32 = arith.constant 0 : i32
    %c0_i32_0 = arith.constant 0 : i32
    return %c0_i32, %arg1 : i32, i32
  }
  func.func @transform_2(%arg0: i32, %arg1: i32) -> (i32, i32) {
    %c0_i32 = arith.constant 0 : i32
    %c0_i32_0 = arith.constant 0 : i32
    return %arg0, %c0_i32 : i32, i32
  }
  func.func @transform_3(%arg0: i32, %arg1: i32) -> (i32, i32) {
    %c0_i32 = arith.constant 0 : i32
    %c0_i32_0 = arith.constant 0 : i32
    return %arg0, %c0_i32 : i32, i32
  }
  func.func @transform_4(%arg0: i32, %arg1: i32) -> (i32, i32, i32) {
    %c0_i32 = arith.constant 0 : i32
    %c0_i32_0 = arith.constant 0 : i32
    return %arg1, %arg0, %c0_i32 : i32, i32, i32
  }
  func.func @transform_5(%arg0: i32, %arg1: i32) -> (i32, i32) {
    %c0_i32 = arith.constant 0 : i32
    %c0_i32_0 = arith.constant 0 : i32
    return %arg0, %c0_i32 : i32, i32
  }
}

module attributes {stable_mosaic.version = 14 : i64} {
  func.func @_tc2_body(%arg0: i32, %arg1: i32, %arg2: memref<1x512x128xf32, #tpu.memory_space<vmem>>, %arg3: memref<1x512x128xf32, #tpu.memory_space<vmem>>, %arg4: memref<512x1xf32, #tpu.memory_space<vmem>>, %arg5: memref<2x128xf32, #tpu.memory_space<vmem>>, %arg6: memref<256x128xf32, #tpu.memory_space<vmem>>, %arg7: memref<1x512x128xf32, #tpu.memory_space<vmem>>) attributes {dimension_semantics = [#tpu.dimension_semantics<arbitrary>, #tpu.dimension_semantics<arbitrary>], iteration_bounds = array<i64: 20, 2>, scalar_prefetch = 0 : i64, scratch_operands = 0 : i64, tpu.core_type = #tpu.core_type<tc>, window_params = [{transform_indices = @transform_0, window_bounds = array<i64: 1, 512, 128>}, {transform_indices = @transform_1, window_bounds = array<i64: 1, 512, 128>}, {transform_indices = @transform_2, window_bounds = array<i64: 512, 1>}, {pipeline_mode = #tpu.pipeline_mode<synchronous>, transform_indices = @transform_3, window_bounds = array<i64: 2, 128>}, {transform_indices = @transform_4, window_bounds = array<i64: 256, 128>}, {transform_indices = @transform_5, window_bounds = array<i64: 1, 512, 128>}]} {
    %get3A = arith.constant 0 : index
    %get3A_0 = arith.constant 0 : index
    %get3A_1 = vector.load %arg4[%get3A, %get3A_0] : memref<512x1xf32, #tpu.memory_space<vmem>>, vector<512x1xf32>
    %add3A = arith.constant 1.000000e+00 : f32
    %add3A_2 = vector.broadcast %add3A : f32 to vector<512x1xf32>
    %add3A_3 = arith.addf %get3A_1, %add3A_2 : vector<512x1xf32>
    %rsqrt3A = math.rsqrt %add3A_3 : vector<512x1xf32>
    %get3A_4 = arith.constant 0 : index
    %get3A_5 = arith.constant 0 : index
    %get3A_6 = arith.constant 0 : index
    %get3A_7 = vector.load %arg2[%get3A_4, %get3A_5, %get3A_6] : memref<1x512x128xf32, #tpu.memory_space<vmem>>, vector<1x512x128xf32>
    %get3A_8 = vector.shape_cast %get3A_7 : vector<1x512x128xf32> to vector<512x128xf32>
    %mul3A = vector.broadcast %rsqrt3A : vector<512x1xf32> to vector<512x128xf32>
    %mul3A_9 = arith.mulf %get3A_8, %mul3A : vector<512x128xf32>
    %get3A_10 = arith.constant 0 : index
    %get3A_11 = arith.constant 0 : index
    %get3A_12 = vector.load %arg5[%get3A_10, %get3A_11] : memref<2x128xf32, #tpu.memory_space<vmem>>, vector<1x128xf32>
    %add3A_13 = vector.broadcast %get3A_12 : vector<1x128xf32> to vector<512x128xf32>
    %add3A_14 = arith.addf %mul3A_9, %add3A_13 : vector<512x128xf32>
    %max3A = arith.constant 0.000000e+00 : f32
    %max3A_15 = vector.broadcast %max3A : f32 to vector<512x128xf32>
    %max3A_16 = arith.maximumf %add3A_14, %max3A_15 : vector<512x128xf32>
    %get3A_17 = arith.constant 0 : index
    %get3A_18 = arith.constant 0 : index
    %get3A_19 = arith.constant 0 : index
    %get3A_20 = vector.load %arg3[%get3A_17, %get3A_18, %get3A_19] : memref<1x512x128xf32, #tpu.memory_space<vmem>>, vector<1x512x128xf32>
    %get3A_21 = vector.shape_cast %get3A_20 : vector<1x512x128xf32> to vector<512x128xf32>
    %mul3A_22 = vector.broadcast %rsqrt3A : vector<512x1xf32> to vector<512x128xf32>
    %mul3A_23 = arith.mulf %get3A_21, %mul3A_22 : vector<512x128xf32>
    %get3A_24 = arith.constant 1 : index
    %get3A_25 = arith.constant 0 : index
    %get3A_26 = vector.load %arg5[%get3A_24, %get3A_25] : memref<2x128xf32, #tpu.memory_space<vmem>>, vector<1x128xf32>
    %add3A_27 = vector.broadcast %get3A_26 : vector<1x128xf32> to vector<512x128xf32>
    %add3A_28 = arith.addf %mul3A_23, %add3A_27 : vector<512x128xf32>
    %max3A_29 = arith.constant 0.000000e+00 : f32
    %max3A_30 = vector.broadcast %max3A_29 : f32 to vector<512x128xf32>
    %max3A_31 = arith.maximumf %add3A_28, %max3A_30 : vector<512x128xf32>
    %get3A_32 = arith.constant 0 : index
    %get3A_33 = arith.constant 0 : index
    %get3A_34 = vector.load %arg6[%get3A_32, %get3A_33] : memref<256x128xf32, #tpu.memory_space<vmem>>, vector<256x128xf32>
    %slice3A = vector.extract_strided_slice %get3A_34 {offsets = [0, 0], sizes = [128, 128], strides = [1, 1]} : vector<256x128xf32> to vector<128x128xf32>
    %dot_general3A = arith.constant dense<0.000000e+00> : vector<512x128xf32>
    %dot_general3A_35 = tpu.matmul %max3A_16, %slice3A, %dot_general3A {dimension_numbers = #tpu.dot_dimension_numbers<[1], [0], [0], [1], [0, 0, 1, 1], [], []>, precision = #tpu.contract_precision<fp32>, transpose_lhs_hint = false} : vector<512x128xf32>, vector<128x128xf32>, vector<512x128xf32> -> vector<512x128xf32>
    %slice3A_36 = vector.extract_strided_slice %get3A_34 {offsets = [128, 0], sizes = [128, 128], strides = [1, 1]} : vector<256x128xf32> to vector<128x128xf32>
    %dot_general3A_37 = arith.constant dense<0.000000e+00> : vector<512x128xf32>
    %dot_general3A_38 = tpu.matmul %max3A_31, %slice3A_36, %dot_general3A_37 {dimension_numbers = #tpu.dot_dimension_numbers<[1], [0], [0], [1], [0, 0, 1, 1], [], []>, precision = #tpu.contract_precision<fp32>, transpose_lhs_hint = false} : vector<512x128xf32>, vector<128x128xf32>, vector<512x128xf32> -> vector<512x128xf32>
    %add3A_39 = arith.addf %dot_general3A_35, %dot_general3A_38 : vector<512x128xf32>
    %mul3A_40 = vector.broadcast %rsqrt3A : vector<512x1xf32> to vector<512x128xf32>
    %mul3A_41 = arith.mulf %add3A_39, %mul3A_40 : vector<512x128xf32>
    %broadcast_in_dim3A = vector.shape_cast %mul3A_41 : vector<512x128xf32> to vector<1x512x128xf32>
    %swap3A = arith.constant 0 : index
    %swap3A_42 = arith.constant 0 : index
    %swap3A_43 = arith.constant 0 : index
    %swap3A_44 = vector.load %arg7[%swap3A, %swap3A_42, %swap3A_43] : memref<1x512x128xf32, #tpu.memory_space<vmem>>, vector<1x512x128xf32>
    tpu.vector_store %arg7[%swap3A, %swap3A_42, %swap3A_43], %broadcast_in_dim3A {strides = array<i32>} : memref<1x512x128xf32, #tpu.memory_space<vmem>>, vector<1x512x128xf32>,
    return
  }
  func.func @transform_0(%arg0: i32, %arg1: i32) -> (i32, i32, i32) {
    %c0_i32 = arith.constant 0 : i32
    %c0_i32_0 = arith.constant 0 : i32
    %c0_i32_1 = arith.constant 0 : i32
    return %c0_i32, %arg0, %c0_i32_0 : i32, i32, i32
  }
  func.func @transform_1(%arg0: i32, %arg1: i32) -> (i32, i32, i32) {
    %c1_i32 = arith.constant 1 : i32
    %c0_i32 = arith.constant 0 : i32
    %c0_i32_0 = arith.constant 0 : i32
    return %c1_i32, %arg0, %c0_i32 : i32, i32, i32
  }
  func.func @transform_2(%arg0: i32, %arg1: i32) -> (i32, i32) {
    %c0_i32 = arith.constant 0 : i32
    %c0_i32_0 = arith.constant 0 : i32
    return %arg0, %c0_i32 : i32, i32
  }
  func.func @transform_3(%arg0: i32, %arg1: i32) -> (i32, i32) {
    %c0_i32 = arith.constant 0 : i32
    %c0_i32_0 = arith.constant 0 : i32
    %c0_i32_1 = arith.constant 0 : i32
    return %c0_i32, %c0_i32_0 : i32, i32
  }
  func.func @transform_4(%arg0: i32, %arg1: i32) -> (i32, i32) {
    %c0_i32 = arith.constant 0 : i32
    %c0_i32_0 = arith.constant 0 : i32
    return %c0_i32, %arg1 : i32, i32
  }
  func.func @transform_5(%arg0: i32, %arg1: i32) -> (i32, i32, i32) {
    %c0_i32 = arith.constant 0 : i32
    %c0_i32_0 = arith.constant 0 : i32
    return %arg1, %arg0, %c0_i32 : i32, i32, i32
  }
}

module attributes {stable_mosaic.version = 14 : i64} {
  func.func @_tc3_body(%arg0: i32, %arg1: i32, %arg2: memref<1x512x128xf32, #tpu.memory_space<vmem>>, %arg3: memref<512x1xf32, #tpu.memory_space<vmem>>, %arg4: memref<2x128xf32, #tpu.memory_space<vmem>>, %arg5: memref<512x128xf32, #tpu.memory_space<vmem>>) attributes {dimension_semantics = [#tpu.dimension_semantics<arbitrary>, #tpu.dimension_semantics<arbitrary>], iteration_bounds = array<i64: 20, 2>, scalar_prefetch = 0 : i64, scratch_operands = 0 : i64, tpu.core_type = #tpu.core_type<tc>, window_params = [{transform_indices = @transform_0, window_bounds = array<i64: 1, 512, 128>}, {transform_indices = @transform_1, window_bounds = array<i64: 512, 1>}, {pipeline_mode = #tpu.pipeline_mode<synchronous>, transform_indices = @transform_2, window_bounds = array<i64: 2, 128>}, {transform_indices = @transform_3, window_bounds = array<i64: 512, 128>}]} {
    %get3A = arith.constant 0 : index
    %get3A_0 = arith.constant 0 : index
    %get3A_1 = vector.load %arg3[%get3A, %get3A_0] : memref<512x1xf32, #tpu.memory_space<vmem>>, vector<512x1xf32>
    %add3A = arith.constant 1.000000e+00 : f32
    %add3A_2 = vector.broadcast %add3A : f32 to vector<512x1xf32>
    %add3A_3 = arith.addf %get3A_1, %add3A_2 : vector<512x1xf32>
    %rsqrt3A = math.rsqrt %add3A_3 : vector<512x1xf32>
    %get3A_4 = arith.constant 0 : index
    %get3A_5 = arith.constant 0 : index
    %get3A_6 = vector.load %arg4[%get3A_4, %get3A_5] : memref<2x128xf32, #tpu.memory_space<vmem>>, vector<2x128xf32>
    %eq3A = arith.constant 0 : i32
    %eq3A_7 = arith.cmpi eq, %arg1, %eq3A : i32
    %slice3A = vector.extract_strided_slice %get3A_6 {offsets = [0, 0], sizes = [1, 128], strides = [1, 1]} : vector<2x128xf32> to vector<1x128xf32>
    %slice3A_8 = vector.extract_strided_slice %get3A_6 {offsets = [1, 0], sizes = [1, 128], strides = [1, 1]} : vector<2x128xf32> to vector<1x128xf32>
    %select_n3A = arith.select %eq3A_7, %slice3A, %slice3A_8 : vector<1x128xf32>
    %get3A_9 = arith.constant 0 : index
    %get3A_10 = arith.constant 0 : index
    %get3A_11 = arith.constant 0 : index
    %get3A_12 = vector.load %arg2[%get3A_9, %get3A_10, %get3A_11] : memref<1x512x128xf32, #tpu.memory_space<vmem>>, vector<1x512x128xf32>
    %get3A_13 = vector.shape_cast %get3A_12 : vector<1x512x128xf32> to vector<512x128xf32>
    %mul3A = vector.broadcast %rsqrt3A : vector<512x1xf32> to vector<512x128xf32>
    %mul3A_14 = arith.mulf %get3A_13, %mul3A : vector<512x128xf32>
    %add3A_15 = vector.broadcast %select_n3A : vector<1x128xf32> to vector<512x128xf32>
    %add3A_16 = arith.addf %mul3A_14, %add3A_15 : vector<512x128xf32>
    %max3A = arith.constant 0.000000e+00 : f32
    %max3A_17 = vector.broadcast %max3A : f32 to vector<512x128xf32>
    %max3A_18 = arith.maximumf %add3A_16, %max3A_17 : vector<512x128xf32>
    %swap3A = arith.constant 0 : index
    %swap3A_19 = arith.constant 0 : index
    %swap3A_20 = vector.load %arg5[%swap3A, %swap3A_19] : memref<512x128xf32, #tpu.memory_space<vmem>>, vector<512x128xf32>
    tpu.vector_store %arg5[%swap3A, %swap3A_19], %max3A_18 {strides = array<i32>} : memref<512x128xf32, #tpu.memory_space<vmem>>, vector<512x128xf32>,
    return
  }
  func.func @transform_0(%arg0: i32, %arg1: i32) -> (i32, i32, i32) {
    %c0_i32 = arith.constant 0 : i32
    %c0_i32_0 = arith.constant 0 : i32
    return %arg1, %arg0, %c0_i32 : i32, i32, i32
  }
  func.func @transform_1(%arg0: i32, %arg1: i32) -> (i32, i32) {
    %c0_i32 = arith.constant 0 : i32
    %c0_i32_0 = arith.constant 0 : i32
    return %arg0, %c0_i32 : i32, i32
  }
  func.func @transform_2(%arg0: i32, %arg1: i32) -> (i32, i32) {
    %c0_i32 = arith.constant 0 : i32
    %c0_i32_0 = arith.constant 0 : i32
    %c0_i32_1 = arith.constant 0 : i32
    return %c0_i32, %c0_i32_0 : i32, i32
  }
  func.func @transform_3(%arg0: i32, %arg1: i32) -> (i32, i32) {
    %c0_i32 = arith.constant 0 : i32
    return %arg0, %arg1 : i32, i32
  }
}

</mosaic_0001>

<sc_bundles>
// kernel: kernel.11.cloned.1.call-start
scs
__scs_entry_jumppad:
0x0: {  	(pc) =	sbr.rel $0x88, $3  }
0x1: {  	(tag) =	ssettag $0x0;
	lr =	simm.s32 $0x1  }
0x2: {  	[smem:$0x3F9B] =	sst lr;
	_ =	strace $0xD0000000  }
0x3: {  	_ = 	snop  }
0x4: {  	_ = 	snop  }
0x5: {  	_ = 	snop  }
0x6: {  	_ = 	snop  }
0x7: {  	_ = 	snop  }
__scs_overlays_trampoline_lowered:
0x8: {  	[smem:$0x3FAA] =	sst s0  }
0x9: {  	[smem:$0x3FAB] =	sst s1  }
0xa: {  	[smem:$0x3FAC] =	sst s2  }
0xb: {  	[smem:$0x3FAD] =	sst s3  }
0xc: {  	[smem:$0x3FAE] =	sst s4  }
0xd: {  	[smem:$0x3FAF] =	sst s5  }
0xe: {  	[smem:$0x3FB0] =	sst s6  }
0xf: {  	[smem:$0x3FB1] =	sst s7  }
0x10: {  	[smem:$0x3FB2] =	sst s8  }
0x11: {  	[smem:$0x3FB3] =	sst s9;
	s0 =	simm.s32 @!p0 $0x0  }
0x12: {  	s1 =	sld [smem:$0x3F99];
	s0 =	simm.s32 @p0 $0x1  }
0x13: {  	[smem:$0x3FB4] =	sst s0;
	s0 =	simm.s32 @!p1 $0x0  }
0x14: {  	s2 =	sld [smem:$0x3F98];
	s0 =	simm.s32 @p1 $0x1  }
0x15: {  	[smem:$0x3FB5] =	sst s0;
	s0 =	simm.s32 @!p2 $0x0  }
0x16: {  	s3 =	sld [smem:$0x3FDB];
	s0 =	simm.s32 @p2 $0x1  }
0x17: {  	s4 =	simm.s32 $0x1BF5;
	[smem:$0x3FB7] =	sst s0  }
0x18: {  	s0 =	sld [smem:$0x3F9A];
	_ =	swait.ge [sflag:s4], $0x0  }
0x19: {  	s7 =	sld [smem:$0x3F9B]  }
0x1a: {  	s8 =	sadd.s32 $0xFFFFE003, lr  }
0x1b: {  	s9 =	sadd.s32 $0xFFFFFEF7, lr;
	s5 =	simm.s32 $0xFFFFFFFF;
	p2 =	slt.u32 s8, $0xFFFFF086  }
0x1c: {  	p1 =	slt.u32 s9, $0xF7A;
	s5 =	simm.s32 @!p2 $0x0  }
0x1d: {  	s5 =	simm.s32 @p1 $0x1;
	p0 =	seq.s32 s7, s2  }
0x1e: {  	s7 =	smul.u32 @!p0 $0xF7A, s2;
	p2 =	seq.s32 @!p0 s5, $0x0  }
0x1f: {  	s9 =	smul.u32 $0xF7A, s1;
	s8 =	simm.s32 @!p0 $0x1BF5;
	p2 =	por !p2, p0  }
0x20: {  	[sflag:s8] =	ssyncset.s32 @!p0 $0xFFFFF086;
	s6 =	sadd.s32 @!p0 s3, s7;
	s7 =	simm.s32 @!p0 $0x108  }
0x21: {  	s3 =	sadd.s32 s3, s9;
	s6 =	sadd.s32 @!p0 $0x88, s6;
	s7 =	simm.s32 @p2 $0x1082  }
0x22: {  	[simem:s7], [sflag:s8] =	dma.local @!p0 [hbm:s6], $0xF7A  }
0x23: {  	s9 =	sor.u32 $0xD0000000, s2;
	s6 =	simm.s32 $0x108;
	_ =	swait.ge @!p0 [sflag:s8], $0x0  }
0x24: {  	s3 =	sadd.s32 $0x88, s3;
	s6 =	simm.s32 @!p1 $0x1082;
	[sflag:s4] =	ssyncset.s32 $0xFFFFF086  }
0x25: {  	[simem:s6], [sflag:s4] =	dma.local [hbm:s3], $0xF7A  }
0x26: {  	[smem:$0x3F9B] =	sst s1;
	(tag) =	ssettag s2;
	_ =	strace s9  }
0x27: {  	s1 =	sld [smem:$0x3FAB]  }
0x28: {  	s2 =	sld [smem:$0x3FAC]  }
0x29: {  	s4 =	sld [smem:$0x3FAE]  }
0x2a: {  	p0 =	seq.s32 s5, $0x0;
	s5 =	sld [smem:$0x3FAF]  }
0x2b: {  	s6 =	sld [smem:$0x3FB0]  }
0x2c: {  	s7 =	sld [smem:$0x3FB1]  }
0x2d: {  	s3 =	simm.s32 $0x108;
	s8 =	sld [smem:$0x3FB2]  }
0x2e: {  	s3 =	simm.s32 @!p0 $0x1082;
	s9 =	sld [smem:$0x3FB3]  }
0x2f: {  	lr =	sadd.s32 s0, s3;
	s0 =	sld [smem:$0x3FAA]  }
0x30: {  	s3 =	sld [smem:$0x3FAD]  }
0x31: {  	[smem:$0x3FB6] =	sst s10  }
0x32: {  	s10 =	sld [smem:$0x3FB4];
	_ =	sdelay $0x3  }
0x33: {  	p0 =	seq.s32 s10, $0x1;
	s10 =	sld [smem:$0x3FB6];
	_ =	sdelay $0x3  }
0x34: {  	[smem:$0x3FB6] =	sst s10  }
0x35: {  	s10 =	sld [smem:$0x3FB5];
	_ =	sdelay $0x3  }
0x36: {  	p1 =	seq.s32 s10, $0x1;
	s10 =	sld [smem:$0x3FB6];
	_ =	sdelay $0x3  }
0x37: {  	[smem:$0x3FB6] =	sst s10  }
0x38: {  	s10 =	sld [smem:$0x3FB7]  }
0x39: {  	_ = 	snop;
	(pc) =	sbr.ind lr, $3  }
0x3a: {  	_ = 	snop  }
0x3b: {  	_ = 	snop  }
0x3c: {  	p2 =	seq.s32 s10, $0x1;
	s10 =	sld [smem:$0x3FB6]  }
0x3d: {  	_ =	shalt  }
0x3e: {  	_ =	shalt  }
0x3f: {  	_ =	shalt  }
0x40: {  	_ =	shalt  }
0x41: {  	_ =	shalt  }
0x42: {  	_ =	shalt  }
0x43: {  	_ =	shalt  }
0x44: {  	_ =	shalt  }
0x45: {  	_ =	shalt  }
0x46: {  	_ =	shalt  }
0x47: {  	_ =	shalt  }
0x48: {  	_ =	shalt  }
0x49: {  	_ =	shalt  }
0x4a: {  	_ =	shalt  }
0x4b: {  	_ =	shalt  }
0x4c: {  	_ =	shalt  }
0x4d: {  	_ =	shalt  }
0x4e: {  	_ =	shalt  }
0x4f: {  	_ =	shalt  }
0x50: {  	_ =	shalt  }
0x51: {  	_ =	shalt  }
0x52: {  	_ =	shalt  }
0x53: {  	_ =	shalt  }
0x54: {  	_ =	shalt  }
0x55: {  	_ =	shalt  }
0x56: {  	_ =	shalt  }
0x57: {  	_ =	shalt  }
0x58: {  	_ =	shalt  }
0x59: {  	_ =	shalt  }
0x5a: {  	_ =	shalt  }
0x5b: {  	_ =	shalt  }
0x5c: {  	_ =	shalt  }
0x5d: {  	_ =	shalt  }
0x5e: {  	_ =	shalt  }
0x5f: {  	_ =	shalt  }
0x60: {  	_ =	shalt  }
0x61: {  	_ =	shalt  }
0x62: {  	_ =	shalt  }
0x63: {  	_ =	shalt  }
0x64: {  	_ =	shalt  }
0x65: {  	_ =	shalt  }
0x66: {  	_ =	shalt  }
0x67: {  	_ =	shalt  }
0x68: {  	_ =	shalt  }
0x69: {  	_ =	shalt  }
0x6a: {  	_ =	shalt  }
0x6b: {  	_ =	shalt  }
0x6c: {  	_ =	shalt  }
0x6d: {  	_ =	shalt  }
0x6e: {  	_ =	shalt  }
0x6f: {  	_ =	shalt  }
0x70: {  	_ =	shalt  }
0x71: {  	_ =	shalt  }
0x72: {  	_ =	shalt  }
0x73: {  	_ =	shalt  }
0x74: {  	_ =	shalt  }
0x75: {  	_ =	shalt  }
0x76: {  	_ =	shalt  }
0x77: {  	_ =	shalt  }
0x78: {  	_ =	shalt  }
0x79: {  	_ =	shalt  }
0x7a: {  	_ =	shalt  }
0x7b: {  	_ =	shalt  }
0x7c: {  	_ =	shalt  }
0x7d: {  	_ =	shalt  }
0x7e: {  	_ =	shalt  }
0x7f: {  	_ =	shalt  }
0x80: {  	_ =	shalt  }
0x81: {  	_ =	shalt  }
0x82: {  	_ =	shalt  }
0x83: {  	_ =	shalt  }
0x84: {  	_ =	shalt  }
0x85: {  	_ =	shalt  }
0x86: {  	_ =	shalt  }
0x87: {  	_ =	shalt  }
.Lfunc_end0:
.L_simem_size_0:
called_computation.1_lowered:
.L_overlay_start_0:
0x88: {  	s2 =	sld [smem:$0x3FD9]  }
0x89: {  	s3 =	sld [smem:$0x3FFE];
	_ =	sdelay $0x1  }
0x8a: {  	s1 =	srdreg.scid  }
0x8b: {  	s0 =	sand.u32 $0x1, s1  }
0x8c: {  	s17 =	sshll.u32 s0, $0xA;
	s2 =	sadd.s32 s3, s2  }
0x8d: {  	s2 =	sadd.s32 s2, s17  }
0x8e: {  	[smem:$0x3FC2] =	sst s2  }
0x8f: {  	_ = 	snop  }
0x90: {  	s2 =	sld [smem:$0x3FD0];
	(tm) =	ssettm $0x1  }
0x91: {  	s18 =	sld [smem:$0x3FFB];
	_ =	sdelay $0x3  }
0x92: {  	_ =	strace s18  }
0x93: {  	s3 =	sld [smem:$0x3FFC];
	_ =	sdelay $0x3  }
0x94: {  	_ =	strace s3  }
0x95: {  	s3 =	sld [smem:$0x3FFD];
	_ =	sdelay $0x3  }
0x96: {  	_ =	strace s3  }
0x97: {  	_ =	strace $0x8FFFFFFF  }
0x98: {  	s19 =	sld [smem:$0x3FDB];
	_ =	sdelay $0x1  }
0x99: {  	s4 =	simm.s32 $_scs_section_size  }
0x9a: {  	s5 =	simm.s32 $_size__tile_overlayer_lowered;
	s6 =	simm.s32 $_tile_overlayer_lowered  }
0x9b: {  	s22 =	simm.s32 $0x1BFF;
	s21 =	sshll.u32 s6, $0x1;
	s3 =	sadd.s32 s4, s19  }
0x9c: {  	s7 =	simm.s32 $0x0;
	s20 =	sshll.u32 s5, $0x1;
	s5 =	sadd.s32 s21, s3  }
0x9d: {  	[timem:s7], [sflag:s22] =	dma.local [hbm:s5], s20  }
0x9e: {  	_ =	swait.ge [sflag:s22], s20  }
0x9f: {  	s4 =	ssub.s32 $0x0, s20;
	[sflag:s22] =	ssyncset.done $0x0  }
0xa0: {  	[sflag:s22] =	ssyncadd.s32 s4;
	_ =	sdelay $0x1  }
0xa1: {  	s23 =	simm.s32 $0x1B8B  }
0xa2: {  	_ =	swait.ge [sflag:s23], $0x1  }
0xa3: {  	[sflag:s23] =	ssyncset.done $0x0  }
0xa4: {  	s25 =	simm.s32 $0x1B8E;
	s24 =	sld [smem:$0x3FFE];
	[sflag:s23] =	ssyncadd.s32 $0xFFFFFFFF  }
0xa5: {  	s26 =	simm.s32 $execute0_lowered;
	[smem:$0x3FD2] =	sst s25  }
0xa6: {  	s5 =	sshll.u32 s26, $0x1;
	_ =	strace $0x80000049;
	[dreg:$0x1] =	wrdreg $0xFFFFFFFF  }
0xa7: {  	s28 =	simm.s32 $_size_execute0_lowered;
	s3 =	sadd.s32 s3, s5;
	[dreg:$0x0] =	wrdreg $0x0  }
0xa8: {  	s5 =	sshll.u32 s28, $0x1;
	[dreg:$0x2] =	wrdreg s3  }
0xa9: {  	[dreg:$0x3] =	wrdreg s5  }
0xaa: {  	[dreg:$0x4] =	wrdreg $0xC0  }
0xab: {  	_ =	task [dreg:s7], $0x5FFFF  }
0xac: {  	[dreg:$0x1] =	wrdreg $0xFFFFFFFF  }
0xad: {  	[dreg:$0x0] =	wrdreg $0x60  }
0xae: {  	[dreg:$0x2] =	wrdreg s24  }
0xaf: {  	[dreg:$0x3] =	wrdreg s2  }
0xb0: {  	[dreg:$0x4] =	wrdreg $0x90000  }
0xb1: {  	[dreg:$0x5] =	wrdreg $0x9  }
0xb2: {  	_ =	task.clear_ibuf [dreg:s7], $0x6FFFF;
	_ =	strace $0x90000049  }
0xb3: {  	s29 =	simm.s32 $0x9;
	_ =	strace $0x8000004B  }
0xb4: {  	_ =	swait.ge [sflag:s29], $0x1  }
0xb5: {  	[sflag:s29] =	ssyncadd.s32 $0xFFFFFFFF  }
0xb6: {  	_ =	strace $0x9000004B  }
0xb7: {  	_ =	sfence  }
0xb8: {  	s30 =	sld [smem:$0x0];
	_ =	sdelay $0x2  }
0xb9: {  	s31 =	sshll.u32 s1, $0xD;
	s1 =	sshrl.u32 s1, $0x2  }
0xba: {  	s3 =	sand.u32 $0x4000, s31;
	s1 =	sadd.s32 s1, s30  }
0xbb: {  	s0 =	sor.u32 s3, s0;
	s1 =	sshll.u32 s1, $0x11  }
0xbc: {  	s0 =	sor.u32 s1, s0  }
0xbd: {  	s0 =	sadd.s32 $0x8F2B, s0  }
0xbe: {  	[sflag:s0] =	ssyncadd.remote.s32 $0x1  }
0xbf: {  	_ =	sfence.sel $0xFFFF  }
0xc0: {  	[dreg:$0x0] =	wrdreg $0xFFFFFFFF;
	(pc) =	sbr.abs _section_cstart, $3  }
0xc1: {  	[dreg:$0x1] =	wrdreg $0xFFFFFFFF  }
0xc2: {  	_ =	task.clear_ibuf [dreg:s7], $0x2FFFF;
	_ =	strace $0x9FFFFFFF  }
0xc3: {  	(tm) =	ssettm $0x7FFFFFFF  }
tec
execute0_lowered:
.L_overlay_start_1:
0x0: {  	(tag) =	ssettag $0x1  }
0x1: {  	s4 =	rddreg [dreg:$0x0]  }
0x2: {  	s7 =	rddreg [dreg:$0x1]  }
0x3: {  	s1 =	rddreg [dreg:$0x2];
	s2 =	srdreg.scid  }
0x4: {  	s0 =	rddreg [dreg:$0x3];
	s5 =	sand.u32 $0x1, s2  }
0x5: {  	s3 =	simm.s32 $0x0;
	s2 =	stileid.u32;
	s8 =	smul.u32 $0x140000, s5  }
0x6: {  	s15 =	simm.s32 $0x5000;
	s16 =	simm.s32 $0x0;
	s6 =	smul.u32 $0x14000, s2  }
0x7: {  	[smem:$0x7FF] =	sst s3;
	s9 =	sadd.s32 $0x1E00, s4;
	s10 =	smul.u32 $0x500, s2  }
0x8: {  	_ =	strace $0x8000004A;
	s5 =	ssub.s32 $0x2, s5;
	s11 =	smul.u32 $0x50000, s2  }
0x9: {  	s31 =	sshll.u32 s2, $0x6;
	s29 =	sshrl.u32 s5, $0x1;
	s6 =	sadd.s32 s6, s8  }
0xa: {  	s12 =	sadd.s32 s10, s4;
	s14 =	ssub.s32 s5, s29;
	s30 =	sshrl.u32 s11, $0x2  }
0xb: {  	s5 =	sor.u32 $0x1C01, s31;
	s7 =	sadd.s32 s7, s10;
	s8 =	sshrl.u32 s8, $0x3  }
0xc: {  	s6 =	sshrl.u32 s6, $0x3;
	s11 =	sadd.s32 s30, s1;
	s8 =	sadd.s32 s9, s8  }
0xd: {  	s10 =	smax.u32 s14, $0x1;
	s14 =	simm.s32 $0x80;
	s13 =	sadd.s32 s6, s4  }
0xe: {  	s4 =	sadd.s32 s9, s6;
	s6 =	sadd.s32 $0xA4E00, s12;
	s11 =	sshrl.u32 s11, $0x3  }
0xf: {  	s12 =	simm.s32 $0x1;
	s9 =	sadd.s32 $0x51E00, s13;
	s13 =	simm.s32 $0x2800  }
.LBB2_1:
0x10: {  	[spmem:s11], [sflag:s5] =	dma.local [hbm:s4], $0x2800  }
0x11: {  	_ =	swait.ge [sflag:s12], $0x2800  }
0x12: {  	[sflag:s12] =	ssyncset.done $0x0  }
0x13: {  	[sflag:s12] =	ssyncadd.s32 $0xFFFFD800  }
0x14: {  	[tilespmem:s3], [sflag:$0x1] =	stream.linear.gather [hbm4b:s6+s3], $0x2800, $0x38;
	[tilespmem:$0x1D000] =	vst v63  }
0x15: {  	_ =	swait.ge [sflag:s12], $0x2800  }
0x16: {  	[sflag:s12] =	ssyncset.done $0x0  }
0x17: {  	[sflag:s12] =	ssyncadd.s32 $0xFFFFD800  }
0x18: {  	[tilespmem:s13], [sflag:$0x1] =	stream.linear.gather [hbm4b:s7+s3], $0x2800, $0x38;
	[tilespmem:$0x1D000] =	vst v63  }
0x19: {  	_ =	swait.ge [sflag:s12], $0x2800  }
0x1a: {  	[sflag:s12] =	ssyncset.done $0x0  }
0x1b: {  	[sflag:s12] =	ssyncadd.s32 $0xFFFFD800  }
0x1c: {  	s17 =	simm.s32 $0x0;
	[bflag:$0x0] =	sbarrier.arrive $0xFFFF  }
0x1d: {  	[tilespmem:s15], [sflag:$0x1] =	stream.indirect.gather [hbm4b:s8+s14], $0x80, s17, s14, $0xb8;
	[tilespmem:$0x1D000] =	vst v63  }
0x1e: {  	_ =	swait.ge [sflag:s12], $0x4000  }
0x1f: {  	[sflag:s12] =	ssyncset.done $0x0  }
0x20: {  	s31 =	simm.s32 $0x2800;
	[sflag:s12] =	ssyncadd.s32 $0xFFFFC000  }
0x21: {  	[spmem:s1] =	stream.indirect.scatter.add.f32 [tilespmem:s15], [sflag:$0x1], $0x80, s31, s14, $0xb8;
	[tilespmem:$0x1D000] =	vst v63  }
0x22: {  	_ =	swait.ge [sflag:s12], $0x4000  }
0x23: {  	s18 =	simm.s32 $0x400;
	s17 =	simm.s32 $0x200;
	[sflag:s12] =	ssyncset.done $0x0  }
.LBB2_2:
0x24: {  	s19 =	sshra.s32 s17, $0x2  }
0x25: {  	[sflag:s12] =	ssyncadd.s32 $0xFFFFC000;
	s17 =	smov.u32 s18;
	s20 =	sadd.s32 $0x200, s18  }
0x26: {  	[tilespmem:s15], [sflag:$0x1] =	stream.indirect.gather [hbm4b:s8+s14], $0x80, s19, s14, $0xb8;
	[tilespmem:$0x1D000] =	vst v63  }
0x27: {  	p0 =	sne.s32 s18, $0x9E00;
	_ =	swait.ge [sflag:s12], $0x4000  }
.Ltmp0:
0x28: {  	[sflag:s12] =	ssyncset.done $0x0;
	(pc) =	sbr.rel @p0 .LBB2_2-.Ltmp0, $4  }
0x29: {  	s18 =	sadd.s32 $0x2800, s19;
	[sflag:s12] =	ssyncadd.s32 $0xFFFFC000  }
0x2a: {  	[spmem:s1] =	stream.indirect.scatter.add.f32 [tilespmem:s15], [sflag:$0x1], $0x80, s18, s14, $0xb8;
	[tilespmem:$0x1D000] =	vst v63  }
0x2b: {  	_ =	swait.ge [sflag:s12], $0x4000  }
0x2c: {  	s18 =	smov.u32 s20;
	[sflag:s12] =	ssyncset.done $0x0  }
0x2d: {  	s17 =	sshra.s32 s17, $0x2;
	[sflag:s12] =	ssyncadd.s32 $0xFFFFC000  }
0x2e: {  	[tilespmem:s15], [sflag:$0x1] =	stream.indirect.gather [hbm4b:s8+s14], $0x80, s17, s14, $0xb8;
	[tilespmem:$0x1D000] =	vst v63  }
0x2f: {  	_ =	swait.ge [sflag:s12], $0x4000  }
0x30: {  	[sflag:s12] =	ssyncset.done $0x0  }
0x31: {  	s17 =	sadd.s32 $0x2800, s17;
	[sflag:s12] =	ssyncadd.s32 $0xFFFFC000  }
0x32: {  	[spmem:s1] =	stream.indirect.scatter.add.f32 [tilespmem:s15], [sflag:$0x1], $0x80, s17, s14, $0xb8;
	[tilespmem:$0x1D000] =	vst v63  }
0x33: {  	_ =	swait.ge [sflag:s12], $0x4000  }
0x34: {  	s16 =	sadd.s32 $0x1, s16;
	[sflag:s12] =	ssyncset.done $0x0  }
0x35: {  	p0 =	sne.s32 s16, s10;
	[sflag:s12] =	ssyncadd.s32 $0xFFFFC000  }
.Ltmp1:
0x36: {  	[bflag:$0x0] =	sbarrier.arrive $0xFFFF;
	(pc) =	sbr.rel @p0 .LBB2_1-.Ltmp1, $4  }
0x37: {  	[hbm:s9], [sflag:s5] =	dma.local [spmem:s11], $0x2800  }
0x38: {  	_ =	swait.ge [sflag:s12], $0x2800  }
0x39: {  	[sflag:s12] =	ssyncset.done $0x0  }
0x3a: {  	[sflag:s12] =	ssyncadd.s32 $0xFFFFD800  }
0x3b: {  	_ =	sfence.sel $0x180000  }
0x3c: {  	[bflag:$0x0] =	sbarrier.arrive $0xFFFF  }
0x3d: {  	p0 =	sne.s32 s2, $0x0;
	_ =	strace $0x9000004A  }
0x3e: {  	s0 =	sadd.s32 @!p0 $0x100000, s0;
	[bflag:$0x2] =	sbarrier.arrive $0xFFFF  }
0x3f: {  	[sflag:s0] =	ssyncadd.tile.s32 @!p0 $0x1;
	_ =	shalt  }
.Lfunc_end2:
_tile_overlayer_lowered:
.L_overlay_start_2:
0x40: {  	(tag) =	ssettag $0x2  }
0x41: {  	s0 =	rddreg [dreg:$0x0];
	s2 =	stileid.u32  }
0x42: {  	s1 =	rddreg [dreg:$0x1];
	p0 =	sne.s32 s2, $0x0  }
0x43: {  	s3 =	rddreg [dreg:$0x2];
	[bflag:$0x3] =	sbarrier.arrive $0xFFFF;
	s2 =	simm.s32 @!p0 $0x1C01  }
0x44: {  	[timem:s3], [sflag:s2] =	dma.local @!p0 [hbm:s0], s1  }
0x45: {  	s0 =	simm.s32 @!p0 $0x1  }
0x46: {  	_ =	swait.ge @!p0 [sflag:s0], s1  }
0x47: {  	s1 =	ssub.s32 @!p0 $0x0, s1;
	[sflag:s0] =	ssyncset.done @!p0 $0x0  }
0x48: {  	[sflag:s0] =	ssyncadd.s32 @!p0 s1  }
0x49: {  	[bflag:$0x3] =	sbarrier.arrive $0xFFFF  }
0x4a: {  	_ =	shalt  }

// kernel: kernel.14.cloned.1.call-start
scs
__scs_entry_jumppad:
0x0: {  	(pc) =	sbr.rel $0x88, $3  }
0x1: {  	(tag) =	ssettag $0x0;
	lr =	simm.s32 $0x1  }
0x2: {  	[smem:$0x3F9B] =	sst lr;
	_ =	strace $0xD0000000  }
0x3: {  	_ = 	snop  }
0x4: {  	_ = 	snop  }
0x5: {  	_ = 	snop  }
0x6: {  	_ = 	snop  }
0x7: {  	_ = 	snop  }
__scs_overlays_trampoline_lowered:
0x8: {  	[smem:$0x3FAA] =	sst s0  }
0x9: {  	[smem:$0x3FAB] =	sst s1  }
0xa: {  	[smem:$0x3FAC] =	sst s2  }
0xb: {  	[smem:$0x3FAD] =	sst s3  }
0xc: {  	[smem:$0x3FAE] =	sst s4  }
0xd: {  	[smem:$0x3FAF] =	sst s5  }
0xe: {  	[smem:$0x3FB0] =	sst s6  }
0xf: {  	[smem:$0x3FB1] =	sst s7  }
0x10: {  	[smem:$0x3FB2] =	sst s8  }
0x11: {  	[smem:$0x3FB3] =	sst s9;
	s0 =	simm.s32 @!p0 $0x0  }
0x12: {  	s1 =	sld [smem:$0x3F99];
	s0 =	simm.s32 @p0 $0x1  }
0x13: {  	[smem:$0x3FB4] =	sst s0;
	s0 =	simm.s32 @!p1 $0x0  }
0x14: {  	s2 =	sld [smem:$0x3F98];
	s0 =	simm.s32 @p1 $0x1  }
0x15: {  	[smem:$0x3FB5] =	sst s0;
	s0 =	simm.s32 @!p2 $0x0  }
0x16: {  	s3 =	sld [smem:$0x3FDB];
	s0 =	simm.s32 @p2 $0x1  }
0x17: {  	s4 =	simm.s32 $0x1BF5;
	[smem:$0x3FB7] =	sst s0  }
0x18: {  	s0 =	sld [smem:$0x3F9A];
	_ =	swait.ge [sflag:s4], $0x0  }
0x19: {  	s7 =	sld [smem:$0x3F9B]  }
0x1a: {  	s8 =	sadd.s32 $0xFFFFE003, lr  }
0x1b: {  	s9 =	sadd.s32 $0xFFFFFEF7, lr;
	s5 =	simm.s32 $0xFFFFFFFF;
	p2 =	slt.u32 s8, $0xFFFFF086  }
0x1c: {  	p1 =	slt.u32 s9, $0xF7A;
	s5 =	simm.s32 @!p2 $0x0  }
0x1d: {  	s5 =	simm.s32 @p1 $0x1;
	p0 =	seq.s32 s7, s2  }
0x1e: {  	s7 =	smul.u32 @!p0 $0xF7A, s2;
	p2 =	seq.s32 @!p0 s5, $0x0  }
0x1f: {  	s9 =	smul.u32 $0xF7A, s1;
	s8 =	simm.s32 @!p0 $0x1BF5;
	p2 =	por !p2, p0  }
0x20: {  	[sflag:s8] =	ssyncset.s32 @!p0 $0xFFFFF086;
	s6 =	sadd.s32 @!p0 s3, s7;
	s7 =	simm.s32 @!p0 $0x108  }
0x21: {  	s3 =	sadd.s32 s3, s9;
	s6 =	sadd.s32 @!p0 $0x88, s6;
	s7 =	simm.s32 @p2 $0x1082  }
0x22: {  	[simem:s7], [sflag:s8] =	dma.local @!p0 [hbm:s6], $0xF7A  }
0x23: {  	s9 =	sor.u32 $0xD0000000, s2;
	s6 =	simm.s32 $0x108;
	_ =	swait.ge @!p0 [sflag:s8], $0x0  }
0x24: {  	s3 =	sadd.s32 $0x88, s3;
	s6 =	simm.s32 @!p1 $0x1082;
	[sflag:s4] =	ssyncset.s32 $0xFFFFF086  }
0x25: {  	[simem:s6], [sflag:s4] =	dma.local [hbm:s3], $0xF7A  }
0x26: {  	[smem:$0x3F9B] =	sst s1;
	(tag) =	ssettag s2;
	_ =	strace s9  }
0x27: {  	s1 =	sld [smem:$0x3FAB]  }
0x28: {  	s2 =	sld [smem:$0x3FAC]  }
0x29: {  	s4 =	sld [smem:$0x3FAE]  }
0x2a: {  	p0 =	seq.s32 s5, $0x0;
	s5 =	sld [smem:$0x3FAF]  }
0x2b: {  	s6 =	sld [smem:$0x3FB0]  }
0x2c: {  	s7 =	sld [smem:$0x3FB1]  }
0x2d: {  	s3 =	simm.s32 $0x108;
	s8 =	sld [smem:$0x3FB2]  }
0x2e: {  	s3 =	simm.s32 @!p0 $0x1082;
	s9 =	sld [smem:$0x3FB3]  }
0x2f: {  	lr =	sadd.s32 s0, s3;
	s0 =	sld [smem:$0x3FAA]  }
0x30: {  	s3 =	sld [smem:$0x3FAD]  }
0x31: {  	[smem:$0x3FB6] =	sst s10  }
0x32: {  	s10 =	sld [smem:$0x3FB4];
	_ =	sdelay $0x3  }
0x33: {  	p0 =	seq.s32 s10, $0x1;
	s10 =	sld [smem:$0x3FB6];
	_ =	sdelay $0x3  }
0x34: {  	[smem:$0x3FB6] =	sst s10  }
0x35: {  	s10 =	sld [smem:$0x3FB5];
	_ =	sdelay $0x3  }
0x36: {  	p1 =	seq.s32 s10, $0x1;
	s10 =	sld [smem:$0x3FB6];
	_ =	sdelay $0x3  }
0x37: {  	[smem:$0x3FB6] =	sst s10  }
0x38: {  	s10 =	sld [smem:$0x3FB7]  }
0x39: {  	_ = 	snop;
	(pc) =	sbr.ind lr, $3  }
0x3a: {  	_ = 	snop  }
0x3b: {  	_ = 	snop  }
0x3c: {  	p2 =	seq.s32 s10, $0x1;
	s10 =	sld [smem:$0x3FB6]  }
0x3d: {  	_ =	shalt  }
0x3e: {  	_ =	shalt  }
0x3f: {  	_ =	shalt  }
0x40: {  	_ =	shalt  }
0x41: {  	_ =	shalt  }
0x42: {  	_ =	shalt  }
0x43: {  	_ =	shalt  }
0x44: {  	_ =	shalt  }
0x45: {  	_ =	shalt  }
0x46: {  	_ =	shalt  }
0x47: {  	_ =	shalt  }
0x48: {  	_ =	shalt  }
0x49: {  	_ =	shalt  }
0x4a: {  	_ =	shalt  }
0x4b: {  	_ =	shalt  }
0x4c: {  	_ =	shalt  }
0x4d: {  	_ =	shalt  }
0x4e: {  	_ =	shalt  }
0x4f: {  	_ =	shalt  }
0x50: {  	_ =	shalt  }
0x51: {  	_ =	shalt  }
0x52: {  	_ =	shalt  }
0x53: {  	_ =	shalt  }
0x54: {  	_ =	shalt  }
0x55: {  	_ =	shalt  }
0x56: {  	_ =	shalt  }
0x57: {  	_ =	shalt  }
0x58: {  	_ =	shalt  }
0x59: {  	_ =	shalt  }
0x5a: {  	_ =	shalt  }
0x5b: {  	_ =	shalt  }
0x5c: {  	_ =	shalt  }
0x5d: {  	_ =	shalt  }
0x5e: {  	_ =	shalt  }
0x5f: {  	_ =	shalt  }
0x60: {  	_ =	shalt  }
0x61: {  	_ =	shalt  }
0x62: {  	_ =	shalt  }
0x63: {  	_ =	shalt  }
0x64: {  	_ =	shalt  }
0x65: {  	_ =	shalt  }
0x66: {  	_ =	shalt  }
0x67: {  	_ =	shalt  }
0x68: {  	_ =	shalt  }
0x69: {  	_ =	shalt  }
0x6a: {  	_ =	shalt  }
0x6b: {  	_ =	shalt  }
0x6c: {  	_ =	shalt  }
0x6d: {  	_ =	shalt  }
0x6e: {  	_ =	shalt  }
0x6f: {  	_ =	shalt  }
0x70: {  	_ =	shalt  }
0x71: {  	_ =	shalt  }
0x72: {  	_ =	shalt  }
0x73: {  	_ =	shalt  }
0x74: {  	_ =	shalt  }
0x75: {  	_ =	shalt  }
0x76: {  	_ =	shalt  }
0x77: {  	_ =	shalt  }
0x78: {  	_ =	shalt  }
0x79: {  	_ =	shalt  }
0x7a: {  	_ =	shalt  }
0x7b: {  	_ =	shalt  }
0x7c: {  	_ =	shalt  }
0x7d: {  	_ =	shalt  }
0x7e: {  	_ =	shalt  }
0x7f: {  	_ =	shalt  }
0x80: {  	_ =	shalt  }
0x81: {  	_ =	shalt  }
0x82: {  	_ =	shalt  }
0x83: {  	_ =	shalt  }
0x84: {  	_ =	shalt  }
0x85: {  	_ =	shalt  }
0x86: {  	_ =	shalt  }
0x87: {  	_ =	shalt  }
.Lfunc_end0:
.L_simem_size_0:
called_computation.2_lowered:
.L_overlay_start_0:
0x88: {  	s2 =	sld [smem:$0x3FD9]  }
0x89: {  	s3 =	sld [smem:$0x3FFE];
	_ =	sdelay $0x1  }
0x8a: {  	s1 =	srdreg.scid  }
0x8b: {  	s0 =	sand.u32 $0x1, s1  }
0x8c: {  	s17 =	sshll.u32 s0, $0xA;
	s2 =	sadd.s32 s3, s2  }
0x8d: {  	s2 =	sadd.s32 s2, s17  }
0x8e: {  	[smem:$0x3FC2] =	sst s2  }
0x8f: {  	_ = 	snop  }
0x90: {  	s2 =	sld [smem:$0x3FD0];
	(tm) =	ssettm $0x1  }
0x91: {  	s18 =	sld [smem:$0x3FFB];
	_ =	sdelay $0x3  }
0x92: {  	_ =	strace s18  }
0x93: {  	s3 =	sld [smem:$0x3FFC];
	_ =	sdelay $0x3  }
0x94: {  	_ =	strace s3  }
0x95: {  	s3 =	sld [smem:$0x3FFD];
	_ =	sdelay $0x3  }
0x96: {  	_ =	strace s3  }
0x97: {  	_ =	strace $0x8FFFFFFF  }
0x98: {  	s19 =	sld [smem:$0x3FDB];
	_ =	sdelay $0x1  }
0x99: {  	s4 =	simm.s32 $_scs_section_size  }
0x9a: {  	s5 =	simm.s32 $_size__tile_overlayer_lowered;
	s6 =	simm.s32 $_tile_overlayer_lowered  }
0x9b: {  	s22 =	simm.s32 $0x1BFF;
	s21 =	sshll.u32 s6, $0x1;
	s3 =	sadd.s32 s4, s19  }
0x9c: {  	s7 =	simm.s32 $0x0;
	s20 =	sshll.u32 s5, $0x1;
	s5 =	sadd.s32 s21, s3  }
0x9d: {  	[timem:s7], [sflag:s22] =	dma.local [hbm:s5], s20  }
0x9e: {  	_ =	swait.ge [sflag:s22], s20  }
0x9f: {  	s4 =	ssub.s32 $0x0, s20;
	[sflag:s22] =	ssyncset.done $0x0  }
0xa0: {  	[sflag:s22] =	ssyncadd.s32 s4;
	_ =	sdelay $0x1  }
0xa1: {  	s23 =	simm.s32 $0x1B8B  }
0xa2: {  	_ =	swait.ge [sflag:s23], $0x1  }
0xa3: {  	[sflag:s23] =	ssyncset.done $0x0  }
0xa4: {  	s25 =	simm.s32 $0x1B8E;
	s24 =	sld [smem:$0x3FFE];
	[sflag:s23] =	ssyncadd.s32 $0xFFFFFFFF  }
0xa5: {  	s26 =	simm.s32 $execute0_lowered;
	[smem:$0x3FD2] =	sst s25  }
0xa6: {  	s5 =	sshll.u32 s26, $0x1;
	_ =	strace $0x8000004C;
	[dreg:$0x1] =	wrdreg $0xFFFFFFFF  }
0xa7: {  	s28 =	simm.s32 $_size_execute0_lowered;
	s3 =	sadd.s32 s3, s5;
	[dreg:$0x0] =	wrdreg $0x0  }
0xa8: {  	s5 =	sshll.u32 s28, $0x1;
	[dreg:$0x2] =	wrdreg s3  }
0xa9: {  	[dreg:$0x3] =	wrdreg s5  }
0xaa: {  	[dreg:$0x4] =	wrdreg $0xC0  }
0xab: {  	_ =	task [dreg:s7], $0x5FFFF  }
0xac: {  	[dreg:$0x1] =	wrdreg $0xFFFFFFFF  }
0xad: {  	[dreg:$0x0] =	wrdreg $0x60  }
0xae: {  	[dreg:$0x2] =	wrdreg s24  }
0xaf: {  	[dreg:$0x3] =	wrdreg s2  }
0xb0: {  	[dreg:$0x4] =	wrdreg $0x90000  }
0xb1: {  	[dreg:$0x5] =	wrdreg $0x9  }
0xb2: {  	_ =	task.clear_ibuf [dreg:s7], $0x6FFFF;
	_ =	strace $0x9000004C  }
0xb3: {  	s29 =	simm.s32 $0x9;
	_ =	strace $0x8000004E  }
0xb4: {  	_ =	swait.ge [sflag:s29], $0x1  }
0xb5: {  	[sflag:s29] =	ssyncadd.s32 $0xFFFFFFFF  }
0xb6: {  	_ =	strace $0x9000004E  }
0xb7: {  	_ =	sfence  }
0xb8: {  	s30 =	sld [smem:$0x0];
	_ =	sdelay $0x2  }
0xb9: {  	s31 =	sshll.u32 s1, $0xD;
	s1 =	sshrl.u32 s1, $0x2  }
0xba: {  	s3 =	sand.u32 $0x4000, s31;
	s1 =	sadd.s32 s1, s30  }
0xbb: {  	s0 =	sor.u32 s3, s0;
	s1 =	sshll.u32 s1, $0x11  }
0xbc: {  	s0 =	sor.u32 s1, s0  }
0xbd: {  	s0 =	sadd.s32 $0x8F2B, s0  }
0xbe: {  	[sflag:s0] =	ssyncadd.remote.s32 $0x1  }
0xbf: {  	_ =	sfence.sel $0xFFFF  }
0xc0: {  	[dreg:$0x0] =	wrdreg $0xFFFFFFFF;
	(pc) =	sbr.abs _section_cstart, $3  }
0xc1: {  	[dreg:$0x1] =	wrdreg $0xFFFFFFFF  }
0xc2: {  	_ =	task.clear_ibuf [dreg:s7], $0x2FFFF;
	_ =	strace $0x9FFFFFFF  }
0xc3: {  	(tm) =	ssettm $0x7FFFFFFF  }
tec
execute0_lowered:
.L_overlay_start_1:
0x0: {  	(tag) =	ssettag $0x1  }
0x1: {  	s4 =	rddreg [dreg:$0x0]  }
0x2: {  	s7 =	rddreg [dreg:$0x1]  }
0x3: {  	s1 =	rddreg [dreg:$0x2];
	s2 =	srdreg.scid  }
0x4: {  	s0 =	rddreg [dreg:$0x3];
	s5 =	sand.u32 $0x1, s2  }
0x5: {  	s3 =	simm.s32 $0x0;
	s2 =	stileid.u32;
	s8 =	smul.u32 $0x140000, s5  }
0x6: {  	s15 =	simm.s32 $0x5000;
	s16 =	simm.s32 $0x0;
	s6 =	smul.u32 $0x14000, s2  }
0x7: {  	[smem:$0x7FF] =	sst s3;
	s9 =	sadd.s32 $0x1E00, s4;
	s10 =	smul.u32 $0x500, s2  }
0x8: {  	_ =	strace $0x8000004D;
	s5 =	ssub.s32 $0x2, s5;
	s11 =	smul.u32 $0x50000, s2  }
0x9: {  	s31 =	sshll.u32 s2, $0x6;
	s29 =	sshrl.u32 s5, $0x1;
	s6 =	sadd.s32 s6, s8  }
0xa: {  	s12 =	sadd.s32 s10, s4;
	s14 =	ssub.s32 s5, s29;
	s30 =	sshrl.u32 s11, $0x2  }
0xb: {  	s5 =	sor.u32 $0x1C01, s31;
	s7 =	sadd.s32 s7, s10;
	s8 =	sshrl.u32 s8, $0x3  }
0xc: {  	s6 =	sshrl.u32 s6, $0x3;
	s11 =	sadd.s32 s30, s1;
	s8 =	sadd.s32 s9, s8  }
0xd: {  	s10 =	smax.u32 s14, $0x1;
	s14 =	simm.s32 $0x80;
	s13 =	sadd.s32 s6, s4  }
0xe: {  	s4 =	sadd.s32 s9, s6;
	s6 =	sadd.s32 $0xA4E00, s12;
	s11 =	sshrl.u32 s11, $0x3  }
0xf: {  	s12 =	simm.s32 $0x1;
	s9 =	sadd.s32 $0x51E00, s13;
	s13 =	simm.s32 $0x2800  }
.LBB2_1:
0x10: {  	[spmem:s11], [sflag:s5] =	dma.local [hbm:s4], $0x2800  }
0x11: {  	_ =	swait.ge [sflag:s12], $0x2800  }
0x12: {  	[sflag:s12] =	ssyncset.done $0x0  }
0x13: {  	[sflag:s12] =	ssyncadd.s32 $0xFFFFD800  }
0x14: {  	[tilespmem:s3], [sflag:$0x1] =	stream.linear.gather [hbm4b:s6+s3], $0x2800, $0x38;
	[tilespmem:$0x1D000] =	vst v63  }
0x15: {  	_ =	swait.ge [sflag:s12], $0x2800  }
0x16: {  	[sflag:s12] =	ssyncset.done $0x0  }
0x17: {  	[sflag:s12] =	ssyncadd.s32 $0xFFFFD800  }
0x18: {  	[tilespmem:s13], [sflag:$0x1] =	stream.linear.gather [hbm4b:s7+s3], $0x2800, $0x38;
	[tilespmem:$0x1D000] =	vst v63  }
0x19: {  	_ =	swait.ge [sflag:s12], $0x2800  }
0x1a: {  	[sflag:s12] =	ssyncset.done $0x0  }
0x1b: {  	[sflag:s12] =	ssyncadd.s32 $0xFFFFD800  }
0x1c: {  	s17 =	simm.s32 $0x0;
	[bflag:$0x0] =	sbarrier.arrive $0xFFFF  }
0x1d: {  	[tilespmem:s15], [sflag:$0x1] =	stream.indirect.gather [hbm4b:s8+s14], $0x80, s17, s14, $0xb8;
	[tilespmem:$0x1D000] =	vst v63  }
0x1e: {  	_ =	swait.ge [sflag:s12], $0x4000  }
0x1f: {  	[sflag:s12] =	ssyncset.done $0x0  }
0x20: {  	s31 =	simm.s32 $0x2800;
	[sflag:s12] =	ssyncadd.s32 $0xFFFFC000  }
0x21: {  	[spmem:s1] =	stream.indirect.scatter.add.f32 [tilespmem:s15], [sflag:$0x1], $0x80, s31, s14, $0xb8;
	[tilespmem:$0x1D000] =	vst v63  }
0x22: {  	_ =	swait.ge [sflag:s12], $0x4000  }
0x23: {  	s18 =	simm.s32 $0x400;
	s17 =	simm.s32 $0x200;
	[sflag:s12] =	ssyncset.done $0x0  }
.LBB2_2:
0x24: {  	s19 =	sshra.s32 s17, $0x2  }
0x25: {  	[sflag:s12] =	ssyncadd.s32 $0xFFFFC000;
	s17 =	smov.u32 s18;
	s20 =	sadd.s32 $0x200, s18  }
0x26: {  	[tilespmem:s15], [sflag:$0x1] =	stream.indirect.gather [hbm4b:s8+s14], $0x80, s19, s14, $0xb8;
	[tilespmem:$0x1D000] =	vst v63  }
0x27: {  	p0 =	sne.s32 s18, $0x9E00;
	_ =	swait.ge [sflag:s12], $0x4000  }
.Ltmp0:
0x28: {  	[sflag:s12] =	ssyncset.done $0x0;
	(pc) =	sbr.rel @p0 .LBB2_2-.Ltmp0, $4  }
0x29: {  	s18 =	sadd.s32 $0x2800, s19;
	[sflag:s12] =	ssyncadd.s32 $0xFFFFC000  }
0x2a: {  	[spmem:s1] =	stream.indirect.scatter.add.f32 [tilespmem:s15], [sflag:$0x1], $0x80, s18, s14, $0xb8;
	[tilespmem:$0x1D000] =	vst v63  }
0x2b: {  	_ =	swait.ge [sflag:s12], $0x4000  }
0x2c: {  	s18 =	smov.u32 s20;
	[sflag:s12] =	ssyncset.done $0x0  }
0x2d: {  	s17 =	sshra.s32 s17, $0x2;
	[sflag:s12] =	ssyncadd.s32 $0xFFFFC000  }
0x2e: {  	[tilespmem:s15], [sflag:$0x1] =	stream.indirect.gather [hbm4b:s8+s14], $0x80, s17, s14, $0xb8;
	[tilespmem:$0x1D000] =	vst v63  }
0x2f: {  	_ =	swait.ge [sflag:s12], $0x4000  }
0x30: {  	[sflag:s12] =	ssyncset.done $0x0  }
0x31: {  	s17 =	sadd.s32 $0x2800, s17;
	[sflag:s12] =	ssyncadd.s32 $0xFFFFC000  }
0x32: {  	[spmem:s1] =	stream.indirect.scatter.add.f32 [tilespmem:s15], [sflag:$0x1], $0x80, s17, s14, $0xb8;
	[tilespmem:$0x1D000] =	vst v63  }
0x33: {  	_ =	swait.ge [sflag:s12], $0x4000  }
0x34: {  	s16 =	sadd.s32 $0x1, s16;
	[sflag:s12] =	ssyncset.done $0x0  }
0x35: {  	p0 =	sne.s32 s16, s10;
	[sflag:s12] =	ssyncadd.s32 $0xFFFFC000  }
.Ltmp1:
0x36: {  	[bflag:$0x0] =	sbarrier.arrive $0xFFFF;
	(pc) =	sbr.rel @p0 .LBB2_1-.Ltmp1, $4  }
0x37: {  	[hbm:s9], [sflag:s5] =	dma.local [spmem:s11], $0x2800  }
0x38: {  	_ =	swait.ge [sflag:s12], $0x2800  }
0x39: {  	[sflag:s12] =	ssyncset.done $0x0  }
0x3a: {  	[sflag:s12] =	ssyncadd.s32 $0xFFFFD800  }
0x3b: {  	_ =	sfence.sel $0x180000  }
0x3c: {  	[bflag:$0x0] =	sbarrier.arrive $0xFFFF  }
0x3d: {  	p0 =	sne.s32 s2, $0x0;
	_ =	strace $0x9000004D  }
0x3e: {  	s0 =	sadd.s32 @!p0 $0x100000, s0;
	[bflag:$0x2] =	sbarrier.arrive $0xFFFF  }
0x3f: {  	[sflag:s0] =	ssyncadd.tile.s32 @!p0 $0x1;
	_ =	shalt  }
.Lfunc_end2:
_tile_overlayer_lowered:
.L_overlay_start_2:
0x40: {  	(tag) =	ssettag $0x2  }
0x41: {  	s0 =	rddreg [dreg:$0x0];
	s2 =	stileid.u32  }
0x42: {  	s1 =	rddreg [dreg:$0x1];
	p0 =	sne.s32 s2, $0x0  }
0x43: {  	s3 =	rddreg [dreg:$0x2];
	[bflag:$0x3] =	sbarrier.arrive $0xFFFF;
	s2 =	simm.s32 @!p0 $0x1C01  }
0x44: {  	[timem:s3], [sflag:s2] =	dma.local @!p0 [hbm:s0], s1  }
0x45: {  	s0 =	simm.s32 @!p0 $0x1  }
0x46: {  	_ =	swait.ge @!p0 [sflag:s0], s1  }
0x47: {  	s1 =	ssub.s32 @!p0 $0x0, s1;
	[sflag:s0] =	ssyncset.done @!p0 $0x0  }
0x48: {  	[sflag:s0] =	ssyncadd.s32 @!p0 s1  }
0x49: {  	[bflag:$0x3] =	sbarrier.arrive $0xFFFF  }
0x4a: {  	_ =	shalt  }

// kernel: kernel.8.cloned.1.call-start
scs
__scs_entry_jumppad:
0x0: {  	(pc) =	sbr.rel $0x88, $3  }
0x1: {  	(tag) =	ssettag $0x0;
	lr =	simm.s32 $0x1  }
0x2: {  	[smem:$0x3F9B] =	sst lr;
	_ =	strace $0xD0000000  }
0x3: {  	_ = 	snop  }
0x4: {  	_ = 	snop  }
0x5: {  	_ = 	snop  }
0x6: {  	_ = 	snop  }
0x7: {  	_ = 	snop  }
__scs_overlays_trampoline_lowered:
0x8: {  	[smem:$0x3FAA] =	sst s0  }
0x9: {  	[smem:$0x3FAB] =	sst s1  }
0xa: {  	[smem:$0x3FAC] =	sst s2  }
0xb: {  	[smem:$0x3FAD] =	sst s3  }
0xc: {  	[smem:$0x3FAE] =	sst s4  }
0xd: {  	[smem:$0x3FAF] =	sst s5  }
0xe: {  	[smem:$0x3FB0] =	sst s6  }
0xf: {  	[smem:$0x3FB1] =	sst s7  }
0x10: {  	[smem:$0x3FB2] =	sst s8  }
0x11: {  	[smem:$0x3FB3] =	sst s9;
	s0 =	simm.s32 @!p0 $0x0  }
0x12: {  	s1 =	sld [smem:$0x3F99];
	s0 =	simm.s32 @p0 $0x1  }
0x13: {  	[smem:$0x3FB4] =	sst s0;
	s0 =	simm.s32 @!p1 $0x0  }
0x14: {  	s2 =	sld [smem:$0x3F98];
	s0 =	simm.s32 @p1 $0x1  }
0x15: {  	[smem:$0x3FB5] =	sst s0;
	s0 =	simm.s32 @!p2 $0x0  }
0x16: {  	s3 =	sld [smem:$0x3FDB];
	s0 =	simm.s32 @p2 $0x1  }
0x17: {  	s4 =	simm.s32 $0x1BF5;
	[smem:$0x3FB7] =	sst s0  }
0x18: {  	s0 =	sld [smem:$0x3F9A];
	_ =	swait.ge [sflag:s4], $0x0  }
0x19: {  	s7 =	sld [smem:$0x3F9B]  }
0x1a: {  	s8 =	sadd.s32 $0xFFFFE003, lr  }
0x1b: {  	s9 =	sadd.s32 $0xFFFFFEF7, lr;
	s5 =	simm.s32 $0xFFFFFFFF;
	p2 =	slt.u32 s8, $0xFFFFF086  }
0x1c: {  	p1 =	slt.u32 s9, $0xF7A;
	s5 =	simm.s32 @!p2 $0x0  }
0x1d: {  	s5 =	simm.s32 @p1 $0x1;
	p0 =	seq.s32 s7, s2  }
0x1e: {  	s7 =	smul.u32 @!p0 $0xF7A, s2;
	p2 =	seq.s32 @!p0 s5, $0x0  }
0x1f: {  	s9 =	smul.u32 $0xF7A, s1;
	s8 =	simm.s32 @!p0 $0x1BF5;
	p2 =	por !p2, p0  }
0x20: {  	[sflag:s8] =	ssyncset.s32 @!p0 $0xFFFFF086;
	s6 =	sadd.s32 @!p0 s3, s7;
	s7 =	simm.s32 @!p0 $0x108  }
0x21: {  	s3 =	sadd.s32 s3, s9;
	s6 =	sadd.s32 @!p0 $0x88, s6;
	s7 =	simm.s32 @p2 $0x1082  }
0x22: {  	[simem:s7], [sflag:s8] =	dma.local @!p0 [hbm:s6], $0xF7A  }
0x23: {  	s9 =	sor.u32 $0xD0000000, s2;
	s6 =	simm.s32 $0x108;
	_ =	swait.ge @!p0 [sflag:s8], $0x0  }
0x24: {  	s3 =	sadd.s32 $0x88, s3;
	s6 =	simm.s32 @!p1 $0x1082;
	[sflag:s4] =	ssyncset.s32 $0xFFFFF086  }
0x25: {  	[simem:s6], [sflag:s4] =	dma.local [hbm:s3], $0xF7A  }
0x26: {  	[smem:$0x3F9B] =	sst s1;
	(tag) =	ssettag s2;
	_ =	strace s9  }
0x27: {  	s1 =	sld [smem:$0x3FAB]  }
0x28: {  	s2 =	sld [smem:$0x3FAC]  }
0x29: {  	s4 =	sld [smem:$0x3FAE]  }
0x2a: {  	p0 =	seq.s32 s5, $0x0;
	s5 =	sld [smem:$0x3FAF]  }
0x2b: {  	s6 =	sld [smem:$0x3FB0]  }
0x2c: {  	s7 =	sld [smem:$0x3FB1]  }
0x2d: {  	s3 =	simm.s32 $0x108;
	s8 =	sld [smem:$0x3FB2]  }
0x2e: {  	s3 =	simm.s32 @!p0 $0x1082;
	s9 =	sld [smem:$0x3FB3]  }
0x2f: {  	lr =	sadd.s32 s0, s3;
	s0 =	sld [smem:$0x3FAA]  }
0x30: {  	s3 =	sld [smem:$0x3FAD]  }
0x31: {  	[smem:$0x3FB6] =	sst s10  }
0x32: {  	s10 =	sld [smem:$0x3FB4];
	_ =	sdelay $0x3  }
0x33: {  	p0 =	seq.s32 s10, $0x1;
	s10 =	sld [smem:$0x3FB6];
	_ =	sdelay $0x3  }
0x34: {  	[smem:$0x3FB6] =	sst s10  }
0x35: {  	s10 =	sld [smem:$0x3FB5];
	_ =	sdelay $0x3  }
0x36: {  	p1 =	seq.s32 s10, $0x1;
	s10 =	sld [smem:$0x3FB6];
	_ =	sdelay $0x3  }
0x37: {  	[smem:$0x3FB6] =	sst s10  }
0x38: {  	s10 =	sld [smem:$0x3FB7]  }
0x39: {  	_ = 	snop;
	(pc) =	sbr.ind lr, $3  }
0x3a: {  	_ = 	snop  }
0x3b: {  	_ = 	snop  }
0x3c: {  	p2 =	seq.s32 s10, $0x1;
	s10 =	sld [smem:$0x3FB6]  }
0x3d: {  	_ =	shalt  }
0x3e: {  	_ =	shalt  }
0x3f: {  	_ =	shalt  }
0x40: {  	_ =	shalt  }
0x41: {  	_ =	shalt  }
0x42: {  	_ =	shalt  }
0x43: {  	_ =	shalt  }
0x44: {  	_ =	shalt  }
0x45: {  	_ =	shalt  }
0x46: {  	_ =	shalt  }
0x47: {  	_ =	shalt  }
0x48: {  	_ =	shalt  }
0x49: {  	_ =	shalt  }
0x4a: {  	_ =	shalt  }
0x4b: {  	_ =	shalt  }
0x4c: {  	_ =	shalt  }
0x4d: {  	_ =	shalt  }
0x4e: {  	_ =	shalt  }
0x4f: {  	_ =	shalt  }
0x50: {  	_ =	shalt  }
0x51: {  	_ =	shalt  }
0x52: {  	_ =	shalt  }
0x53: {  	_ =	shalt  }
0x54: {  	_ =	shalt  }
0x55: {  	_ =	shalt  }
0x56: {  	_ =	shalt  }
0x57: {  	_ =	shalt  }
0x58: {  	_ =	shalt  }
0x59: {  	_ =	shalt  }
0x5a: {  	_ =	shalt  }
0x5b: {  	_ =	shalt  }
0x5c: {  	_ =	shalt  }
0x5d: {  	_ =	shalt  }
0x5e: {  	_ =	shalt  }
0x5f: {  	_ =	shalt  }
0x60: {  	_ =	shalt  }
0x61: {  	_ =	shalt  }
0x62: {  	_ =	shalt  }
0x63: {  	_ =	shalt  }
0x64: {  	_ =	shalt  }
0x65: {  	_ =	shalt  }
0x66: {  	_ =	shalt  }
0x67: {  	_ =	shalt  }
0x68: {  	_ =	shalt  }
0x69: {  	_ =	shalt  }
0x6a: {  	_ =	shalt  }
0x6b: {  	_ =	shalt  }
0x6c: {  	_ =	shalt  }
0x6d: {  	_ =	shalt  }
0x6e: {  	_ =	shalt  }
0x6f: {  	_ =	shalt  }
0x70: {  	_ =	shalt  }
0x71: {  	_ =	shalt  }
0x72: {  	_ =	shalt  }
0x73: {  	_ =	shalt  }
0x74: {  	_ =	shalt  }
0x75: {  	_ =	shalt  }
0x76: {  	_ =	shalt  }
0x77: {  	_ =	shalt  }
0x78: {  	_ =	shalt  }
0x79: {  	_ =	shalt  }
0x7a: {  	_ =	shalt  }
0x7b: {  	_ =	shalt  }
0x7c: {  	_ =	shalt  }
0x7d: {  	_ =	shalt  }
0x7e: {  	_ =	shalt  }
0x7f: {  	_ =	shalt  }
0x80: {  	_ =	shalt  }
0x81: {  	_ =	shalt  }
0x82: {  	_ =	shalt  }
0x83: {  	_ =	shalt  }
0x84: {  	_ =	shalt  }
0x85: {  	_ =	shalt  }
0x86: {  	_ =	shalt  }
0x87: {  	_ =	shalt  }
.Lfunc_end0:
.L_simem_size_0:
called_computation_lowered:
.L_overlay_start_0:
0x88: {  	s2 =	sld [smem:$0x3FD9]  }
0x89: {  	s3 =	sld [smem:$0x3FFE];
	_ =	sdelay $0x1  }
0x8a: {  	s1 =	srdreg.scid  }
0x8b: {  	s0 =	sand.u32 $0x1, s1  }
0x8c: {  	s17 =	sshll.u32 s0, $0xA;
	s2 =	sadd.s32 s3, s2  }
0x8d: {  	s2 =	sadd.s32 s2, s17  }
0x8e: {  	[smem:$0x3FC2] =	sst s2  }
0x8f: {  	_ = 	snop  }
0x90: {  	s2 =	sld [smem:$0x3FD0];
	(tm) =	ssettm $0x1  }
0x91: {  	s18 =	sld [smem:$0x3FFB];
	_ =	sdelay $0x3  }
0x92: {  	_ =	strace s18  }
0x93: {  	s3 =	sld [smem:$0x3FFC];
	_ =	sdelay $0x3  }
0x94: {  	_ =	strace s3  }
0x95: {  	s3 =	sld [smem:$0x3FFD];
	_ =	sdelay $0x3  }
0x96: {  	_ =	strace s3  }
0x97: {  	_ =	strace $0x8FFFFFFF  }
0x98: {  	s19 =	sld [smem:$0x3FDB];
	_ =	sdelay $0x1  }
0x99: {  	s4 =	simm.s32 $_scs_section_size  }
0x9a: {  	s5 =	simm.s32 $_size__tile_overlayer_lowered;
	s6 =	simm.s32 $_tile_overlayer_lowered  }
0x9b: {  	s22 =	simm.s32 $0x1BFF;
	s21 =	sshll.u32 s6, $0x1;
	s3 =	sadd.s32 s4, s19  }
0x9c: {  	s7 =	simm.s32 $0x0;
	s20 =	sshll.u32 s5, $0x1;
	s5 =	sadd.s32 s21, s3  }
0x9d: {  	[timem:s7], [sflag:s22] =	dma.local [hbm:s5], s20  }
0x9e: {  	_ =	swait.ge [sflag:s22], s20  }
0x9f: {  	s4 =	ssub.s32 $0x0, s20;
	[sflag:s22] =	ssyncset.done $0x0  }
0xa0: {  	[sflag:s22] =	ssyncadd.s32 s4;
	_ =	sdelay $0x1  }
0xa1: {  	s23 =	simm.s32 $0x1B8B  }
0xa2: {  	_ =	swait.ge [sflag:s23], $0x1  }
0xa3: {  	[sflag:s23] =	ssyncset.done $0x0  }
0xa4: {  	s25 =	simm.s32 $0x1B8E;
	s24 =	sld [smem:$0x3FFE];
	[sflag:s23] =	ssyncadd.s32 $0xFFFFFFFF  }
0xa5: {  	s26 =	simm.s32 $execute0_lowered;
	[smem:$0x3FD2] =	sst s25  }
0xa6: {  	s5 =	sshll.u32 s26, $0x1;
	_ =	strace $0x80000046;
	[dreg:$0x1] =	wrdreg $0xFFFFFFFF  }
0xa7: {  	s28 =	simm.s32 $_size_execute0_lowered;
	s3 =	sadd.s32 s3, s5;
	[dreg:$0x0] =	wrdreg $0x0  }
0xa8: {  	s5 =	sshll.u32 s28, $0x1;
	[dreg:$0x2] =	wrdreg s3  }
0xa9: {  	[dreg:$0x3] =	wrdreg s5  }
0xaa: {  	[dreg:$0x4] =	wrdreg $0xC0  }
0xab: {  	_ =	task [dreg:s7], $0x5FFFF  }
0xac: {  	[dreg:$0x1] =	wrdreg $0xFFFFFFFF  }
0xad: {  	[dreg:$0x0] =	wrdreg $0x60  }
0xae: {  	[dreg:$0x2] =	wrdreg s2  }
0xaf: {  	[dreg:$0x3] =	wrdreg s24  }
0xb0: {  	[dreg:$0x4] =	wrdreg $0x68000  }
0xb1: {  	[dreg:$0x5] =	wrdreg $0x9  }
0xb2: {  	_ =	task.clear_ibuf [dreg:s7], $0x6FFFF;
	_ =	strace $0x90000046  }
0xb3: {  	s29 =	simm.s32 $0x9;
	_ =	strace $0x80000048  }
0xb4: {  	_ =	swait.ge [sflag:s29], $0x1  }
0xb5: {  	[sflag:s29] =	ssyncadd.s32 $0xFFFFFFFF  }
0xb6: {  	_ =	strace $0x90000048  }
0xb7: {  	_ =	sfence  }
0xb8: {  	s30 =	sld [smem:$0x0];
	_ =	sdelay $0x2  }
0xb9: {  	s31 =	sshll.u32 s1, $0xD;
	s1 =	sshrl.u32 s1, $0x2  }
0xba: {  	s3 =	sand.u32 $0x4000, s31;
	s1 =	sadd.s32 s1, s30  }
0xbb: {  	s0 =	sor.u32 s3, s0;
	s1 =	sshll.u32 s1, $0x11  }
0xbc: {  	s0 =	sor.u32 s1, s0  }
0xbd: {  	s0 =	sadd.s32 $0x8F2B, s0  }
0xbe: {  	[sflag:s0] =	ssyncadd.remote.s32 $0x1  }
0xbf: {  	_ =	sfence.sel $0xFFFF  }
0xc0: {  	[dreg:$0x0] =	wrdreg $0xFFFFFFFF;
	(pc) =	sbr.abs _section_cstart, $3  }
0xc1: {  	[dreg:$0x1] =	wrdreg $0xFFFFFFFF  }
0xc2: {  	_ =	task.clear_ibuf [dreg:s7], $0x2FFFF;
	_ =	strace $0x9FFFFFFF  }
0xc3: {  	(tm) =	ssettm $0x7FFFFFFF  }
tec
execute0_lowered:
.L_overlay_start_1:
0x0: {  	(tag) =	ssettag $0x1  }
0x1: {  	s7 =	rddreg [dreg:$0x0]  }
0x2: {  	s6 =	rddreg [dreg:$0x1]  }
0x3: {  	s1 =	rddreg [dreg:$0x2];
	s2 =	srdreg.scid  }
0x4: {  	s0 =	rddreg [dreg:$0x3];
	s8 =	sand.u32 $0x1, s2  }
0x5: {  	s3 =	simm.s32 $0x0;
	s2 =	stileid.u32;
	s5 =	smul.u32 $0x140000, s8  }
0x6: {  	s14 =	simm.s32 $0x80;
	s15 =	simm.s32 $0x0;
	s9 =	smul.u32 $0x14000, s2  }
0x7: {  	[smem:$0x7FF] =	sst s3;
	s4 =	sadd.s32 $0x4600, s6;
	s12 =	smul.u32 $0x50000, s2  }
0x8: {  	_ =	strace $0x80000047;
	s26 =	ssub.s32 $0x2, s8;
	s30 =	smul.u32 $0x500, s2  }
0x9: {  	s29 =	sshll.u32 s2, $0x6;
	s31 =	smul.u32 $0x5000, s8;
	s11 =	sshrl.u32 s26, $0x1  }
0xa: {  	s5 =	sadd.s32 s9, s5;
	s9 =	ssub.s32 s26, s11;
	s28 =	sshrl.u32 s12, $0x2  }
0xb: {  	s7 =	sadd.s32 s7, s30;
	s12 =	simm.s32 $0x1;
	s10 =	sshrl.u32 s5, $0x3  }
0xc: {  	s5 =	sadd.s32 $0x1E00, s6;
	s13 =	sadd.s32 s28, s1;
	s9 =	smax.u32 s9, $0x1  }
0xd: {  	s10 =	sadd.s32 s10, s6;
	s6 =	sor.u32 $0x1C01, s29;
	s11 =	sshrl.u32 s13, $0x3  }
0xe: {  	s13 =	simm.s32 $0x2800;
	s8 =	sadd.s32 $0x4E00, s10;
	s10 =	sshrl.u32 s31, $0x2  }
.LBB2_1:
0xf: {  	[spmem:s11], [sflag:s6] =	dma.local [hbm:s5], $0x2800  }
0x10: {  	_ =	swait.ge [sflag:s12], $0x2800  }
0x11: {  	[sflag:s12] =	ssyncset.done $0x0  }
0x12: {  	[sflag:s12] =	ssyncadd.s32 $0xFFFFD800  }
0x13: {  	[tilespmem:s13], [sflag:$0x1] =	stream.linear.gather [hbm4b:s4+s3], $0x4000, $0x38;
	[tilespmem:$0x1A800] =	vst v63  }
0x14: {  	_ =	swait.ge [sflag:s12], $0x4000  }
0x15: {  	[sflag:s12] =	ssyncset.done $0x0  }
0x16: {  	[sflag:s12] =	ssyncadd.s32 $0xFFFFC000  }
0x17: {  	[tilespmem:s3], [sflag:$0x1] =	stream.linear.gather [hbm4b:s7+s3], $0x2800, $0x38;
	[tilespmem:$0x1A800] =	vst v63  }
0x18: {  	_ =	swait.ge [sflag:s12], $0x2800  }
0x19: {  	[sflag:s12] =	ssyncset.done $0x0  }
0x1a: {  	[sflag:s12] =	ssyncadd.s32 $0xFFFFD800  }
0x1b: {  	s16 =	sadd.s32 $0x0, s10;
	[bflag:$0x0] =	sbarrier.arrive $0xFFFF  }
0x1c: {  	[spmem:s1] =	stream.indirect.scatter.add.f32 [tilespmem:s13], [sflag:$0x1], $0x80, s16, s14, $0xb8;
	[tilespmem:$0x1A800] =	vst v63  }
0x1d: {  	s16 =	simm.s32 $0x200;
	_ =	swait.ge [sflag:s12], $0x4000  }
.LBB2_2:
0x1e: {  	s17 =	sshra.s32 s16, $0x2;
	[sflag:s12] =	ssyncset.done $0x0;
	p0 =	sne.s32 s16, $0x4E00  }
.Ltmp0:
0x1f: {  	s17 =	sadd.s32 s17, s10;
	[sflag:s12] =	ssyncadd.s32 $0xFFFFC000;
	(pc) =	sbr.rel @p0 .LBB2_2-.Ltmp0, $3  }
0x20: {  	[spmem:s1] =	stream.indirect.scatter.add.f32 [tilespmem:s13], [sflag:$0x1], $0x80, s17, s14, $0xb8;
	[tilespmem:$0x1A800] =	vst v63  }
0x21: {  	s16 =	sadd.s32 $0x200, s16;
	_ =	sdelay $0x1  }
0x22: {  	_ =	swait.ge [sflag:s12], $0x4000  }
0x23: {  	[sflag:s12] =	ssyncset.done $0x0;
	s15 =	sadd.s32 $0x1, s15  }
0x24: {  	[sflag:s12] =	ssyncadd.s32 $0xFFFFC000;
	p0 =	sne.s32 s15, s9  }
.Ltmp1:
0x25: {  	[bflag:$0x0] =	sbarrier.arrive $0xFFFF;
	(pc) =	sbr.rel @p0 .LBB2_1-.Ltmp1, $4  }
0x26: {  	[hbm:s8], [sflag:s6] =	dma.local [spmem:s11], $0x2800  }
0x27: {  	_ =	swait.ge [sflag:s12], $0x2800  }
0x28: {  	[sflag:s12] =	ssyncset.done $0x0  }
0x29: {  	[sflag:s12] =	ssyncadd.s32 $0xFFFFD800  }
0x2a: {  	_ =	sfence.sel $0x180000  }
0x2b: {  	[bflag:$0x0] =	sbarrier.arrive $0xFFFF  }
0x2c: {  	p0 =	sne.s32 s2, $0x0;
	_ =	strace $0x90000047  }
0x2d: {  	s0 =	sadd.s32 @!p0 $0x100000, s0;
	[bflag:$0x2] =	sbarrier.arrive $0xFFFF  }
0x2e: {  	[sflag:s0] =	ssyncadd.tile.s32 @!p0 $0x1;
	_ =	shalt  }
.Lfunc_end2:
_tile_overlayer_lowered:
.L_overlay_start_2:
0x2f: {  	(tag) =	ssettag $0x2  }
0x30: {  	s0 =	rddreg [dreg:$0x0];
	s2 =	stileid.u32  }
0x31: {  	s1 =	rddreg [dreg:$0x1];
	p0 =	sne.s32 s2, $0x0  }
0x32: {  	s3 =	rddreg [dreg:$0x2];
	[bflag:$0x3] =	sbarrier.arrive $0xFFFF;
	s2 =	simm.s32 @!p0 $0x1C01  }
0x33: {  	[timem:s3], [sflag:s2] =	dma.local @!p0 [hbm:s0], s1  }
0x34: {  	s0 =	simm.s32 @!p0 $0x1  }
0x35: {  	_ =	swait.ge @!p0 [sflag:s0], s1  }
0x36: {  	s1 =	ssub.s32 @!p0 $0x0, s1;
	[sflag:s0] =	ssyncset.done @!p0 $0x0  }
0x37: {  	[sflag:s0] =	ssyncadd.s32 @!p0 s1  }
0x38: {  	[bflag:$0x3] =	sbarrier.arrive $0xFFFF  }
0x39: {  	_ =	shalt  }

</sc_bundles>
